<compile_context>
chip_gen: v7x
topology: tpu7x:2x2x1
jax: 0.10.2.dev20260603
libtpu: 0.0.44.dev20260713+nightly
codegen_flags: <defaults>
</compile_context>

<pallas_src>
import jax
import jax.numpy as jnp
from jax.experimental import pallas as pl
from jax.experimental.pallas import tpu as pltpu
from jax.experimental.pallas import tpu_sc as plsc

_K = 8192
_D = 256
_BN = 2048
_BK = 2048
_GW = 128


_CHUNKS = ((0, 4096), (4096, 4096))


def _rte_bf16(x):
    u = jax.lax.bitcast_convert_type(x, jnp.uint32)
    r = (u + jnp.uint32(0x7FFF) + ((u >> 16) & jnp.uint32(1))) & jnp.uint32(0xFFFF0000)
    return jax.lax.bitcast_convert_type(r, jnp.float32)


def _argmin_body(x_ref, w_ref, a_ref, c_ref, idx_ref):
    x = x_ref[...]
    a = a_ref[...]

    bv = jnp.full((_BN, 1), jnp.inf, jnp.float32)
    bi = jnp.zeros((_BN, 1), jnp.int32)
    lane = jax.lax.broadcasted_iota(jnp.int32, (_BN, 128), 1)
    for start, width in _CHUNKS:
        wk = w_ref[pl.ds(start, width), :]
        ck = c_ref[:, pl.ds(start, width)]
        m2 = jax.lax.dot_general(
            x, wk, dimension_numbers=(((1,), (1,)), ((), ())),
            preferred_element_type=jnp.float32)
        acc = (a - m2[:, 0:128]) + ck[:, 0:128]
        gacc = jnp.zeros((_BN, 128), jnp.int32)
        for g in range(1, width // 128):
            dg = (a - m2[:, g * 128:(g + 1) * 128]) + ck[:, g * 128:(g + 1) * 128]
            pred = dg < acc
            acc = jnp.where(pred, dg, acc)
            gacc = jnp.where(pred, g, gacc)
        cv = jnp.min(acc, axis=1, keepdims=True)
        cand = gacc * 128 + lane + start
        ii = jnp.min(jnp.where(acc == cv, cand, _K), axis=1, keepdims=True)
        take = (cv < bv) | ((cv == bv) & (ii < bi))
        bi = jnp.where(take, ii, bi)
        bv = _rte_bf16(jnp.where(take, cv, bv))
    idx_ref[...] = bi


def _compute_indices(flat, weight, a, c):
    n = flat.shape[0]
    out = pl.pallas_call(
        _argmin_body,
        grid=(n // _BN,),
        in_specs=[
            pl.BlockSpec((_BN, _D), lambda i: (i, 0)),
            pl.BlockSpec((_K, _D), lambda i: (0, 0)),
            pl.BlockSpec((_BN, 1), lambda i: (i, 0)),
            pl.BlockSpec((1, _K), lambda i: (0, 0)),
        ],
        out_specs=pl.BlockSpec((_BN, 1), lambda i: (i, 0)),
        out_shape=jax.ShapeDtypeStruct((n, 1), jnp.int32),
        compiler_params=pltpu.CompilerParams(
            dimension_semantics=("parallel",)),
    )(flat, weight, a, c)
    return out[:, 0]


def _sc_gather(weight, idx_row):
    n = idx_row.shape[1]
    mesh = plsc.VectorSubcoreMesh(core_axis_name="core",
                                  subcore_axis_name="subcore")

    @pl.kernel(out_type=jax.ShapeDtypeStruct((n, _D), weight.dtype),
               mesh=mesh)
    def gather_kernel(w_hbm, i_hbm, o_hbm):
        def body(i_vmem, o_vmem):
            pltpu.sync_copy(w_hbm.at[i_vmem.at[0]], o_vmem)

        pltpu.emit_pipeline(
            body,
            grid=(n // _GW,),
            in_specs=[pl.BlockSpec((1, _GW), lambda i: (0, i))],
            out_specs=[pl.BlockSpec((_GW, _D), lambda i: (i, 0))],
            core_axis_name=("core", "subcore"),
            dimension_semantics=(pltpu.PARALLEL,),
        )(i_hbm, o_hbm)

    return gather_kernel(weight, idx_row)


def kernel(z, weight):
    b, ch, h, w = z.shape
    a = (z ** 2).sum(axis=1).reshape(-1, 1)
    c = (weight.T ** 2).sum(axis=0).reshape(1, _K)
    x_bf = jnp.transpose((2.0 * z).astype(jnp.bfloat16), (0, 2, 3, 1)).reshape(-1, ch)
    idx = _compute_indices(x_bf, weight, a, c)
    qf = _sc_gather(weight, idx.reshape(1, -1))
    q = jnp.transpose(qf.reshape(b, h, w, ch), (0, 3, 1, 2))
    return (q, q, idx.reshape(b, h, w))

# --- scband reference (transcript-rebuilt; emitter-appended) ---
"""Pipeline reference for scband-quantize-3753801417032 (READ-ONLY COPY).

The authoritative reference and input builder live on the scoring server;
editing this copy changes nothing except your own understanding.
"""

import jax, jax.numpy as jnp
import numpy as np

SIZE = 8192
CODE_DIM = 256

def setup_inputs(seed: int = 0) -> dict:
    key = jax.random.key(seed)
    k1, k2 = jax.random.split(key)
    z = jax.random.normal(k1, (16, 256, 32, 32), dtype=jnp.float32)
    weight = jax.random.uniform(k2, (SIZE, CODE_DIM), dtype=jnp.float32, minval=-1.0 / SIZE, maxval=1.0 / SIZE)
    return {"z": z, "weight": weight}

def reference(z, weight):
    b, c, h, w = z.shape
    flat_inputs = jnp.transpose(z, (0, 2, 3, 1)).reshape(-1, c)
    distances = (flat_inputs ** 2).sum(axis=1, keepdims=True) - 2.0 * flat_inputs @ weight.T + (weight.T ** 2).sum(axis=0, keepdims=True)
    encoding_indices = jnp.argmax(-distances, axis=1)
    encoding_indices = encoding_indices.reshape(b, h, w)
    quantized = jnp.take(weight, encoding_indices, axis=0)
    quantized = jnp.transpose(quantized, (0, 3, 1, 2))
    straight_through = jax.lax.stop_gradient(quantized - z) + z
    return (quantized, straight_through, encoding_indices)

if __name__ == "__main__":
    import jax
    _d = setup_inputs()
    print(jax.jit(kernel)(*tuple(_d.values())))

</pallas_src>

<mosaic_0001>
#map = affine_map<(d0, d1) -> (0, 0)>
module attributes {stable_mosaic.version = 14 : i64} {
  func.func @gather_kernel(%arg0: i32, %arg1: i32, %arg2: memref<8192x256xf32, #tpu.memory_space<hbm>>, %arg3: memref<1x16384xi32, #tpu.memory_space<hbm>>, %arg4: memref<16384x256xf32, #tpu.memory_space<hbm>>) attributes {dimension_semantics = [#tpu.dimension_semantics<core_parallel>, #tpu.dimension_semantics<subcore_parallel>], iteration_bounds = array<i64: 2, 16>, scalar_prefetch = 0 : i64, scratch_operands = 0 : i64, tpu.core_type = #tpu.core_type<sc_vector_subcore>, window_params = [{transform_indices = #map}, {transform_indices = #map}, {transform_indices = #map}]} {
    %mul3A = arith.constant 1 : i32
    %mul3A_0 = arith.muli %arg1, %mul3A : i32
    %add3A = arith.constant 0 : i32
    %add3A_1 = arith.addi %add3A, %mul3A_0 : i32
    %mul3A_2 = arith.constant 16 : i32
    %mul3A_3 = arith.muli %arg0, %mul3A_2 : i32
    %add3A_4 = arith.addi %add3A_1, %mul3A_3 : i32
    %mul3A_5 = arith.constant 4 : i32
    %mul3A_6 = arith.muli %add3A_4, %mul3A_5 : i32
    "tpu.region"() ({
      %run_scoped3A = memref.alloca() : memref<2x1x128xi32, #tpu.memory_space<vmem>>
      %run_scoped3A_7 = tpu.sem_alloc : memref<2x!tpu.dma_semaphore, #tpu.memory_space<semaphore_mem>>
      %run_scoped3A_8 = memref.alloca() : memref<2x128x256xf32, #tpu.memory_space<vmem>>
      %run_scoped3A_9 = tpu.sem_alloc : memref<2x!tpu.dma_semaphore, #tpu.memory_space<semaphore_mem>>
      %add3A_10 = arith.constant 0 : i32
      %add3A_11 = arith.addi %add3A_10, %mul3A_6 : i32
      %select_n3A = arith.constant true
      %select_n3A_12 = arith.constant 0 : i32
      %select_n3A_13 = arith.constant -1 : i32
      %select_n3A_14 = arith.select %select_n3A, %select_n3A_13, %select_n3A_12 : i32
      %eq3A = arith.constant -1 : i32
      %eq3A_15 = arith.cmpi eq, %select_n3A_14, %eq3A : i32
      %select_n3A_16 = arith.constant 3 : i32
      %select_n3A_17 = arith.select %eq3A_15, %select_n3A_16, %select_n3A_14 : i32
      %add3A_18 = arith.addi %select_n3A_17, %mul3A_6 : i32
      %select_n3A_19 = arith.constant true
      %select_n3A_20 = arith.constant 0 : i32
      %select_n3A_21 = arith.constant 1 : i32
      %select_n3A_22 = arith.select %select_n3A_19, %select_n3A_21, %select_n3A_20 : i32
      %eq3A_23 = arith.constant 4 : i32
      %eq3A_24 = arith.cmpi eq, %select_n3A_22, %eq3A_23 : i32
      %select_n3A_25 = arith.constant 0 : i32
      %select_n3A_26 = arith.select %eq3A_24, %select_n3A_25, %select_n3A_22 : i32
      %add3A_27 = arith.addi %select_n3A_26, %mul3A_6 : i32
      %add3A_28 = arith.constant 1 : i32
      %add3A_29 = arith.addi %select_n3A_26, %add3A_28 : i32
      %select_n3A_30 = arith.constant true
      %select_n3A_31 = arith.select %select_n3A_30, %add3A_29, %select_n3A_26 : i32
      %eq3A_32 = arith.constant 4 : i32
      %eq3A_33 = arith.cmpi eq, %select_n3A_31, %eq3A_32 : i32
      %select_n3A_34 = arith.constant 0 : i32
      %select_n3A_35 = arith.select %eq3A_33, %select_n3A_34, %select_n3A_31 : i32
      %add3A_36 = arith.addi %select_n3A_35, %mul3A_6 : i32
      "tpu.trace_start"() <{level = 10 : i32, message = "ep_initialize_0"}> : () -> ()
      %rem3A = arith.constant 0 : i32
      %rem3A_37 = arith.constant 2 : i32
      %rem3A_38 = arith.remui %rem3A, %rem3A_37 : i32
      %mul3A_39 = arith.constant 128 : i32
      %mul3A_40 = arith.muli %mul3A_39, %add3A_11 : i32
      %dma_start3A = arith.constant 0 : i32
      %dma_start3A_41 = arith.constant 0 : i32
      %dma_start3A_42 = tpu.memref_slice %run_scoped3A[%rem3A_38, %dma_start3A, %dma_start3A_41] : memref<2x1x128xi32, #tpu.memory_space<vmem>> -> memref<1x1x128xi32, #tpu.memory_space<vmem>>
      %dma_start3A_43 = tpu.memref_squeeze %dma_start3A_42 : memref<1x1x128xi32, #tpu.memory_space<vmem>> -> memref<1x128xi32, #tpu.memory_space<vmem>>
      %dma_start3A_44 = arith.constant 0 : i32
      %dma_start3A_45 = tpu.memref_slice %arg3[%dma_start3A_44, %mul3A_40] : memref<1x16384xi32, #tpu.memory_space<hbm>> -> memref<1x128xi32, #tpu.memory_space<hbm>>
      %dma_start3A_46 = tpu.memref_slice %run_scoped3A_7[%rem3A_38] : memref<2x!tpu.dma_semaphore, #tpu.memory_space<semaphore_mem>> -> memref<1x!tpu.dma_semaphore, #tpu.memory_space<semaphore_mem>>
      %dma_start3A_47 = tpu.memref_squeeze %dma_start3A_46 : memref<1x!tpu.dma_semaphore, #tpu.memory_space<semaphore_mem>> -> memref<!tpu.dma_semaphore, #tpu.memory_space<semaphore_mem>>
      %dma_start3A_48 = arith.constant 0 : i32
      %dma_start3A_49 = arith.constant 0 : i32
      %dma_start3A_50 = tpu.memref_slice %run_scoped3A[%rem3A_38, %dma_start3A_48, %dma_start3A_49] : memref<2x1x128xi32, #tpu.memory_space<vmem>> -> memref<1x1x128xi32, #tpu.memory_space<vmem>>
      %dma_start3A_51 = tpu.memref_squeeze %dma_start3A_50 : memref<1x1x128xi32, #tpu.memory_space<vmem>> -> memref<1x128xi32, #tpu.memory_space<vmem>>
      %dma_start3A_52 = arith.constant 0 : i32
      %dma_start3A_53 = tpu.memref_slice %arg3[%dma_start3A_52, %mul3A_40] : memref<1x16384xi32, #tpu.memory_space<hbm>> -> memref<1x128xi32, #tpu.memory_space<hbm>>
      tpu.enqueue_dma source(%dma_start3A_53 : memref<1x128xi32, #tpu.memory_space<hbm>>) target(%dma_start3A_51 : memref<1x128xi32, #tpu.memory_space<vmem>>) target_semaphore(%dma_start3A_47 : memref<!tpu.dma_semaphore, #tpu.memory_space<semaphore_mem>>)
      %add3A_54 = arith.constant 0 : i32
      %add3A_55 = arith.constant 1 : i32
      %add3A_56 = arith.addi %add3A_54, %add3A_55 : i32
      %select_n3A_57 = arith.constant true
      %select_n3A_58 = arith.constant 0 : i32
      %select_n3A_59 = arith.select %select_n3A_57, %add3A_56, %select_n3A_58 : i32
      "tpu.trace_stop"() : () -> ()
      %scan3A = arith.constant 0 : i32
      %scan3A_60 = arith.constant 0 : i32
      %scan3A_61 = arith.constant 0 : i32
      %scan3A_62 = arith.constant 0 : i32
      %scan3A_63 = arith.constant 0 : i32
      %scan3A_64 = arith.constant 4 : i32
      %scan3A_65 = arith.addi %scan3A_63, %scan3A_64 : i32
      %scan3A_66 = arith.constant 1 : i32
      %scan3A_67:5 = scf.for %scan3A_121 = %scan3A_63 to %scan3A_65 step %scan3A_66 iter_args(%scan3A_122 = %select_n3A_59, %scan3A_123 = %scan3A, %scan3A_124 = %scan3A_60, %scan3A_125 = %scan3A_61, %scan3A_126 = %scan3A_62) -> (i32, i32, i32, i32, i32)  : i32 {
        %eq3A_127 = arith.constant 0 : i32
        %eq3A_128 = arith.cmpi eq, %scan3A_121, %eq3A_127 : i32
        %eq3A_129 = arith.constant 3 : i32
        %eq3A_130 = arith.cmpi eq, %scan3A_121, %eq3A_129 : i32
        %add3A_131 = arith.addi %scan3A_126, %mul3A_6 : i32
        %sub3A_132 = arith.constant 1 : i32
        %sub3A_133 = arith.subi %scan3A_126, %sub3A_132 : i32
        %select_n3A_134 = arith.constant true
        %select_n3A_135 = arith.select %select_n3A_134, %sub3A_133, %scan3A_126 : i32
        %eq3A_136 = arith.constant -1 : i32
        %eq3A_137 = arith.cmpi eq, %select_n3A_135, %eq3A_136 : i32
        %select_n3A_138 = arith.constant 3 : i32
        %select_n3A_139 = arith.select %eq3A_137, %select_n3A_138, %select_n3A_135 : i32
        %add3A_140 = arith.addi %select_n3A_139, %mul3A_6 : i32
        %add3A_141 = arith.constant 1 : i32
        %add3A_142 = arith.addi %scan3A_126, %add3A_141 : i32
        %select_n3A_143 = arith.constant true
        %select_n3A_144 = arith.select %select_n3A_143, %add3A_142, %scan3A_126 : i32
        %eq3A_145 = arith.constant 4 : i32
        %eq3A_146 = arith.cmpi eq, %select_n3A_144, %eq3A_145 : i32
        %select_n3A_147 = arith.constant 0 : i32
        %select_n3A_148 = arith.select %eq3A_146, %select_n3A_147, %select_n3A_144 : i32
        %add3A_149 = arith.addi %select_n3A_148, %mul3A_6 : i32
        %add3A_150 = arith.constant 1 : i32
        %add3A_151 = arith.addi %select_n3A_148, %add3A_150 : i32
        %select_n3A_152 = arith.constant true
        %select_n3A_153 = arith.select %select_n3A_152, %add3A_151, %select_n3A_148 : i32
        %eq3A_154 = arith.constant 4 : i32
        %eq3A_155 = arith.cmpi eq, %select_n3A_153, %eq3A_154 : i32
        %select_n3A_156 = arith.constant 0 : i32
        %select_n3A_157 = arith.select %eq3A_155, %select_n3A_156, %select_n3A_153 : i32
        %add3A_158 = arith.addi %select_n3A_157, %mul3A_6 : i32
        %ne3A = arith.cmpi ne, %add3A_131, %add3A_149 : i32
        %or3A = arith.constant false
        %or3A_159 = arith.ori %or3A, %ne3A : i1
        %ge3A = arith.constant 3 : i32
        %ge3A_160 = arith.cmpi sge, %scan3A_121, %ge3A : i32
        %not3A = arith.constant true
        %not3A_161 = arith.xori %ge3A_160, %not3A : i1
        %and3A = arith.andi %or3A_159, %not3A_161 : i1
        %convert_element_type3A = arith.extui %and3A : i1 to i32
        %cond3A = arith.constant 0 : i32
        %cond3A_162 = arith.cmpi ne, %convert_element_type3A, %cond3A : i32
        scf.if %cond3A_162 {
          "tpu.trace_start"() <{level = 10 : i32, message = "ep_copy_in"}> : () -> ()
          %rem3A_264 = arith.constant 2 : i32
          %rem3A_265 = arith.remui %scan3A_122, %rem3A_264 : i32
          %mul3A_266 = arith.constant 128 : i32
          %mul3A_267 = arith.muli %mul3A_266, %add3A_149 : i32
          %dma_start3A_268 = arith.constant 0 : i32
          %dma_start3A_269 = arith.constant 0 : i32
          %dma_start3A_270 = tpu.memref_slice %run_scoped3A[%rem3A_265, %dma_start3A_268, %dma_start3A_269] : memref<2x1x128xi32, #tpu.memory_space<vmem>> -> memref<1x1x128xi32, #tpu.memory_space<vmem>>
          %dma_start3A_271 = tpu.memref_squeeze %dma_start3A_270 : memref<1x1x128xi32, #tpu.memory_space<vmem>> -> memref<1x128xi32, #tpu.memory_space<vmem>>
          %dma_start3A_272 = arith.constant 0 : i32
          %dma_start3A_273 = tpu.memref_slice %arg3[%dma_start3A_272, %mul3A_267] : memref<1x16384xi32, #tpu.memory_space<hbm>> -> memref<1x128xi32, #tpu.memory_space<hbm>>
          %dma_start3A_274 = tpu.memref_slice %run_scoped3A_7[%rem3A_265] : memref<2x!tpu.dma_semaphore, #tpu.memory_space<semaphore_mem>> -> memref<1x!tpu.dma_semaphore, #tpu.memory_space<semaphore_mem>>
          %dma_start3A_275 = tpu.memref_squeeze %dma_start3A_274 : memref<1x!tpu.dma_semaphore, #tpu.memory_space<semaphore_mem>> -> memref<!tpu.dma_semaphore, #tpu.memory_space<semaphore_mem>>
          %dma_start3A_276 = arith.constant 0 : i32
          %dma_start3A_277 = arith.constant 0 : i32
          %dma_start3A_278 = tpu.memref_slice %run_scoped3A[%rem3A_265, %dma_start3A_276, %dma_start3A_277] : memref<2x1x128xi32, #tpu.memory_space<vmem>> -> memref<1x1x128xi32, #tpu.memory_space<vmem>>
          %dma_start3A_279 = tpu.memref_squeeze %dma_start3A_278 : memref<1x1x128xi32, #tpu.memory_space<vmem>> -> memref<1x128xi32, #tpu.memory_space<vmem>>
          %dma_start3A_280 = arith.constant 0 : i32
          %dma_start3A_281 = tpu.memref_slice %arg3[%dma_start3A_280, %mul3A_267] : memref<1x16384xi32, #tpu.memory_space<hbm>> -> memref<1x128xi32, #tpu.memory_space<hbm>>
          tpu.enqueue_dma source(%dma_start3A_281 : memref<1x128xi32, #tpu.memory_space<hbm>>) target(%dma_start3A_279 : memref<1x128xi32, #tpu.memory_space<vmem>>) target_semaphore(%dma_start3A_275 : memref<!tpu.dma_semaphore, #tpu.memory_space<semaphore_mem>>)
          "tpu.trace_stop"() : () -> ()
        } else {
        }
        %and3A_163 = arith.constant true
        %and3A_164 = arith.andi %and3A, %and3A_163 : i1
        %add3A_165 = arith.constant 1 : i32
        %add3A_166 = arith.addi %scan3A_122, %add3A_165 : i32
        %select_n3A_167 = arith.select %and3A_164, %add3A_166, %scan3A_122 : i32
        %ne3A_168 = arith.cmpi ne, %add3A_131, %add3A_149 : i32
        %or3A_169 = arith.constant false
        %or3A_170 = arith.ori %or3A_169, %ne3A_168 : i1
        %or3A_171 = arith.constant false
        %or3A_172 = arith.ori %or3A_170, %or3A_171 : i1
        %ge3A_173 = arith.constant 3 : i32
        %ge3A_174 = arith.cmpi sge, %scan3A_121, %ge3A_173 : i32
        %not3A_175 = arith.constant true
        %not3A_176 = arith.xori %ge3A_174, %not3A_175 : i1
        %and3A_177 = arith.andi %or3A_172, %not3A_176 : i1
        %ne3A_178 = arith.cmpi ne, %add3A_131, %add3A_140 : i32
        %or3A_179 = arith.constant false
        %or3A_180 = arith.ori %or3A_179, %ne3A_178 : i1
        %or3A_181 = arith.ori %or3A_180, %eq3A_128 : i1
        %convert_element_type3A_182 = arith.extui %or3A_181 : i1 to i32
        %cond3A_183 = arith.constant 0 : i32
        %cond3A_184 = arith.cmpi ne, %convert_element_type3A_182, %cond3A_183 : i32
        scf.if %cond3A_184 {
          "tpu.trace_start"() <{level = 10 : i32, message = "ep_wait_in"}> : () -> ()
          %mul3A_264 = arith.constant 128 : i32
          %mul3A_265 = arith.muli %mul3A_264, %add3A_131 : i32
          %rem3A_266 = arith.constant 2 : i32
          %rem3A_267 = arith.remui %scan3A_123, %rem3A_266 : i32
          %dma_wait3A_268 = arith.constant 0 : i32
          %dma_wait3A_269 = arith.constant 0 : i32
          %dma_wait3A_270 = tpu.memref_slice %run_scoped3A[%rem3A_267, %dma_wait3A_268, %dma_wait3A_269] : memref<2x1x128xi32, #tpu.memory_space<vmem>> -> memref<1x1x128xi32, #tpu.memory_space<vmem>>
          %dma_wait3A_271 = tpu.memref_squeeze %dma_wait3A_270 : memref<1x1x128xi32, #tpu.memory_space<vmem>> -> memref<1x128xi32, #tpu.memory_space<vmem>>
          %dma_wait3A_272 = arith.constant 0 : i32
          %dma_wait3A_273 = tpu.memref_slice %arg3[%dma_wait3A_272, %mul3A_265] : memref<1x16384xi32, #tpu.memory_space<hbm>> -> memref<1x128xi32, #tpu.memory_space<hbm>>
          %dma_wait3A_274 = tpu.memref_slice %run_scoped3A_7[%rem3A_267] : memref<2x!tpu.dma_semaphore, #tpu.memory_space<semaphore_mem>> -> memref<1x!tpu.dma_semaphore, #tpu.memory_space<semaphore_mem>>
          %dma_wait3A_275 = tpu.memref_squeeze %dma_wait3A_274 : memref<1x!tpu.dma_semaphore, #tpu.memory_space<semaphore_mem>> -> memref<!tpu.dma_semaphore, #tpu.memory_space<semaphore_mem>>
          %dma_wait3A_276 = arith.constant 0 : i32
          %dma_wait3A_277 = arith.constant 0 : i32
          %dma_wait3A_278 = tpu.memref_slice %run_scoped3A[%rem3A_267, %dma_wait3A_276, %dma_wait3A_277] : memref<2x1x128xi32, #tpu.memory_space<vmem>> -> memref<1x1x128xi32, #tpu.memory_space<vmem>>
          %dma_wait3A_279 = tpu.memref_squeeze %dma_wait3A_278 : memref<1x1x128xi32, #tpu.memory_space<vmem>> -> memref<1x128xi32, #tpu.memory_space<vmem>>
          %dma_wait3A_280 = arith.constant 0 : i32
          %dma_wait3A_281 = tpu.memref_slice %arg3[%dma_wait3A_280, %mul3A_265] : memref<1x16384xi32, #tpu.memory_space<hbm>> -> memref<1x128xi32, #tpu.memory_space<hbm>>
          tpu.wait_dma2 semaphore(%dma_wait3A_275 : memref<!tpu.dma_semaphore, #tpu.memory_space<semaphore_mem>>) src(%dma_wait3A_281 : memref<1x128xi32, #tpu.memory_space<hbm>>) dst(%dma_wait3A_279 : memref<1x128xi32, #tpu.memory_space<vmem>>)
          "tpu.trace_stop"() : () -> ()
        } else {
        }
        %ne3A_185 = arith.cmpi ne, %add3A_131, %add3A_140 : i32
        %or3A_186 = arith.constant false
        %or3A_187 = arith.ori %or3A_186, %ne3A_185 : i1
        %or3A_188 = arith.constant false
        %or3A_189 = arith.ori %or3A_187, %or3A_188 : i1
        %or3A_190 = arith.ori %or3A_189, %eq3A_128 : i1
        %convert_element_type3A_191 = arith.extui %or3A_190 : i1 to i32
        %cond3A_192 = arith.constant 0 : i32
        %cond3A_193 = arith.cmpi ne, %convert_element_type3A_191, %cond3A_192 : i32
        scf.if %cond3A_193 {
        } else {
        }
        %rem3A_194 = arith.constant 2 : i32
        %rem3A_195 = arith.remui %scan3A_123, %rem3A_194 : i32
        %rem3A_196 = arith.constant 2 : i32
        %rem3A_197 = arith.remui %scan3A_124, %rem3A_196 : i32
        %run_scoped3A_198 = arith.constant 0 : i32
        "tpu.trace_start"() <{level = 10 : i32, message = "ep_run_kernel"}> : () -> ()
        "tpu.region"() ({
          %run_scoped3A_264 = tpu.sem_alloc : memref<!tpu.dma_semaphore, #tpu.memory_space<semaphore_mem>>
          %dma_start3A_265 = arith.constant 0 : i32
          %dma_start3A_266 = arith.constant 0 : i32
          %dma_start3A_267 = tpu.memref_slice %run_scoped3A_8[%rem3A_197, %dma_start3A_265, %dma_start3A_266] : memref<2x128x256xf32, #tpu.memory_space<vmem>> -> memref<1x128x256xf32, #tpu.memory_space<vmem>>
          %dma_start3A_268 = tpu.memref_squeeze %dma_start3A_267 : memref<1x128x256xf32, #tpu.memory_space<vmem>> -> memref<128x256xf32, #tpu.memory_space<vmem>>
          %dma_start3A_269 = arith.constant 0 : i32
          %dma_start3A_270 = arith.constant 0 : i32
          %dma_start3A_271 = tpu.memref_slice %run_scoped3A[%rem3A_195, %dma_start3A_269, %dma_start3A_270] : memref<2x1x128xi32, #tpu.memory_space<vmem>> -> memref<1x1x128xi32, #tpu.memory_space<vmem>>
          %dma_start3A_272 = tpu.memref_squeeze %dma_start3A_271 : memref<1x1x128xi32, #tpu.memory_space<vmem>> -> memref<1x128xi32, #tpu.memory_space<vmem>>
          %dma_start3A_273 = arith.constant 0 : i32
          %dma_start3A_274 = tpu.memref_slice %dma_start3A_272[%run_scoped3A_198, %dma_start3A_273] : memref<1x128xi32, #tpu.memory_space<vmem>> -> memref<1x128xi32, #tpu.memory_space<vmem>>
          %dma_start3A_275 = tpu.memref_squeeze %dma_start3A_274 : memref<1x128xi32, #tpu.memory_space<vmem>> -> memref<128xi32, #tpu.memory_space<vmem>>
          %dma_start3A_276 = arith.constant 0 : i32
          %dma_start3A_277 = arith.constant 0 : i32
          %dma_start3A_278 = tpu.memref_slice %arg2[%dma_start3A_276, %dma_start3A_277] : memref<8192x256xf32, #tpu.memory_space<hbm>> -> memref<8192x256xf32, #tpu.memory_space<hbm>>
          tpu.enqueue_indirect_dma source(%dma_start3A_278 : memref<8192x256xf32, #tpu.memory_space<hbm>>) target(%dma_start3A_268 : memref<128x256xf32, #tpu.memory_space<vmem>>) offsets(%dma_start3A_275 : memref<128xi32, #tpu.memory_space<vmem>>) semaphore(%run_scoped3A_264 : memref<!tpu.dma_semaphore, #tpu.memory_space<semaphore_mem>>)
          %dma_wait3A_279 = arith.constant 0 : i32
          %dma_wait3A_280 = arith.constant 0 : i32
          %dma_wait3A_281 = tpu.memref_slice %run_scoped3A_8[%rem3A_197, %dma_wait3A_279, %dma_wait3A_280] : memref<2x128x256xf32, #tpu.memory_space<vmem>> -> memref<1x128x256xf32, #tpu.memory_space<vmem>>
          %dma_wait3A_282 = tpu.memref_squeeze %dma_wait3A_281 : memref<1x128x256xf32, #tpu.memory_space<vmem>> -> memref<128x256xf32, #tpu.memory_space<vmem>>
          %dma_wait3A_283 = arith.constant 0 : i32
          %dma_wait3A_284 = arith.constant 0 : i32
          %dma_wait3A_285 = tpu.memref_slice %run_scoped3A[%rem3A_195, %dma_wait3A_283, %dma_wait3A_284] : memref<2x1x128xi32, #tpu.memory_space<vmem>> -> memref<1x1x128xi32, #tpu.memory_space<vmem>>
          %dma_wait3A_286 = tpu.memref_squeeze %dma_wait3A_285 : memref<1x1x128xi32, #tpu.memory_space<vmem>> -> memref<1x128xi32, #tpu.memory_space<vmem>>
          %dma_wait3A_287 = arith.constant 0 : i32
          %dma_wait3A_288 = tpu.memref_slice %dma_wait3A_286[%run_scoped3A_198, %dma_wait3A_287] : memref<1x128xi32, #tpu.memory_space<vmem>> -> memref<1x128xi32, #tpu.memory_space<vmem>>
          %dma_wait3A_289 = tpu.memref_squeeze %dma_wait3A_288 : memref<1x128xi32, #tpu.memory_space<vmem>> -> memref<128xi32, #tpu.memory_space<vmem>>
          %dma_wait3A_290 = arith.constant 0 : i32
          %dma_wait3A_291 = arith.constant 0 : i32
          %dma_wait3A_292 = tpu.memref_slice %arg2[%dma_wait3A_290, %dma_wait3A_291] : memref<8192x256xf32, #tpu.memory_space<hbm>> -> memref<8192x256xf32, #tpu.memory_space<hbm>>
          tpu.wait_indirect_dma semaphore(%run_scoped3A_264 : memref<!tpu.dma_semaphore, #tpu.memory_space<semaphore_mem>>) src(%dma_wait3A_292 : memref<8192x256xf32, #tpu.memory_space<hbm>>) dst(%dma_wait3A_282 : memref<128x256xf32, #tpu.memory_space<vmem>>)
          tpu.yield
        }) : () -> ()
        "tpu.trace_stop"() : () -> ()
        %ne3A_199 = arith.cmpi ne, %add3A_131, %add3A_149 : i32
        %or3A_200 = arith.constant false
        %or3A_201 = arith.ori %or3A_200, %ne3A_199 : i1
        %or3A_202 = arith.ori %or3A_201, %eq3A_130 : i1
        %convert_element_type3A_203 = arith.extui %or3A_202 : i1 to i32
        %cond3A_204 = arith.constant 0 : i32
        %cond3A_205 = arith.cmpi ne, %convert_element_type3A_203, %cond3A_204 : i32
        scf.if %cond3A_205 {
        } else {
        }
        %and3A_206 = arith.constant false
        %and3A_207 = arith.andi %or3A_202, %and3A_206 : i1
        %ne3A_208 = arith.cmpi ne, %add3A_131, %add3A_149 : i32
        %or3A_209 = arith.constant false
        %or3A_210 = arith.ori %or3A_209, %ne3A_208 : i1
        %or3A_211 = arith.constant false
        %or3A_212 = arith.ori %or3A_210, %or3A_211 : i1
        %or3A_213 = arith.ori %or3A_212, %eq3A_130 : i1
        %convert_element_type3A_214 = arith.extui %or3A_213 : i1 to i32
        %cond3A_215 = arith.constant 0 : i32
        %cond3A_216 = arith.cmpi ne, %convert_element_type3A_214, %cond3A_215 : i32
        scf.if %cond3A_216 {
          "tpu.trace_start"() <{level = 10 : i32, message = "ep_copy_out"}> : () -> ()
          %rem3A_264 = arith.constant 2 : i32
          %rem3A_265 = arith.remui %scan3A_124, %rem3A_264 : i32
          %mul3A_266 = arith.constant 128 : i32
          %mul3A_267 = arith.muli %mul3A_266, %add3A_131 : i32
          %dma_start3A_268 = arith.constant 0 : i32
          %dma_start3A_269 = arith.constant 0 : i32
          %dma_start3A_270 = tpu.memref_slice %run_scoped3A_8[%rem3A_265, %dma_start3A_268, %dma_start3A_269] : memref<2x128x256xf32, #tpu.memory_space<vmem>> -> memref<1x128x256xf32, #tpu.memory_space<vmem>>
          %dma_start3A_271 = tpu.memref_squeeze %dma_start3A_270 : memref<1x128x256xf32, #tpu.memory_space<vmem>> -> memref<128x256xf32, #tpu.memory_space<vmem>>
          %dma_start3A_272 = arith.constant 0 : i32
          %dma_start3A_273 = tpu.memref_slice %arg4[%mul3A_267, %dma_start3A_272] : memref<16384x256xf32, #tpu.memory_space<hbm>> -> memref<128x256xf32, #tpu.memory_space<hbm>>
          %dma_start3A_274 = tpu.memref_slice %run_scoped3A_9[%rem3A_265] : memref<2x!tpu.dma_semaphore, #tpu.memory_space<semaphore_mem>> -> memref<1x!tpu.dma_semaphore, #tpu.memory_space<semaphore_mem>>
          %dma_start3A_275 = tpu.memref_squeeze %dma_start3A_274 : memref<1x!tpu.dma_semaphore, #tpu.memory_space<semaphore_mem>> -> memref<!tpu.dma_semaphore, #tpu.memory_space<semaphore_mem>>
          %dma_start3A_276 = arith.constant 0 : i32
          %dma_start3A_277 = tpu.memref_slice %arg4[%mul3A_267, %dma_start3A_276] : memref<16384x256xf32, #tpu.memory_space<hbm>> -> memref<128x256xf32, #tpu.memory_space<hbm>>
          %dma_start3A_278 = arith.constant 0 : i32
          %dma_start3A_279 = arith.constant 0 : i32
          %dma_start3A_280 = tpu.memref_slice %run_scoped3A_8[%rem3A_265, %dma_start3A_278, %dma_start3A_279] : memref<2x128x256xf32, #tpu.memory_space<vmem>> -> memref<1x128x256xf32, #tpu.memory_space<vmem>>
          %dma_start3A_281 = tpu.memref_squeeze %dma_start3A_280 : memref<1x128x256xf32, #tpu.memory_space<vmem>> -> memref<128x256xf32, #tpu.memory_space<vmem>>
          tpu.enqueue_dma source(%dma_start3A_281 : memref<128x256xf32, #tpu.memory_space<vmem>>) target(%dma_start3A_277 : memref<128x256xf32, #tpu.memory_space<hbm>>) target_semaphore(%dma_start3A_275 : memref<!tpu.dma_semaphore, #tpu.memory_space<semaphore_mem>>)
          "tpu.trace_stop"() : () -> ()
        } else {
        }
        %and3A_217 = arith.constant true
        %and3A_218 = arith.andi %or3A_213, %and3A_217 : i1
        %add3A_219 = arith.constant 1 : i32
        %add3A_220 = arith.addi %scan3A_124, %add3A_219 : i32
        %select_n3A_221 = arith.select %and3A_218, %add3A_220, %scan3A_124 : i32
        %ne3A_222 = arith.cmpi ne, %add3A_131, %add3A_140 : i32
        %or3A_223 = arith.constant false
        %or3A_224 = arith.ori %or3A_223, %ne3A_222 : i1
        %not3A_225 = arith.constant true
        %not3A_226 = arith.xori %eq3A_128, %not3A_225 : i1
        %and3A_227 = arith.andi %or3A_224, %not3A_226 : i1
        %convert_element_type3A_228 = arith.extui %and3A_227 : i1 to i32
        %cond3A_229 = arith.constant 0 : i32
        %cond3A_230 = arith.cmpi ne, %convert_element_type3A_228, %cond3A_229 : i32
        scf.if %cond3A_230 {
        } else {
        }
        %and3A_231 = arith.constant false
        %and3A_232 = arith.andi %and3A_227, %and3A_231 : i1
        %ne3A_233 = arith.cmpi ne, %add3A_131, %add3A_140 : i32
        %or3A_234 = arith.constant false
        %or3A_235 = arith.ori %or3A_234, %ne3A_233 : i1
        %or3A_236 = arith.constant false
        %or3A_237 = arith.ori %or3A_235, %or3A_236 : i1
        %not3A_238 = arith.constant true
        %not3A_239 = arith.xori %eq3A_128, %not3A_238 : i1
        %and3A_240 = arith.andi %or3A_237, %not3A_239 : i1
        %convert_element_type3A_241 = arith.extui %and3A_240 : i1 to i32
        %cond3A_242 = arith.constant 0 : i32
        %cond3A_243 = arith.cmpi ne, %convert_element_type3A_241, %cond3A_242 : i32
        scf.if %cond3A_243 {
          "tpu.trace_start"() <{level = 10 : i32, message = "ep_wait_out"}> : () -> ()
          %rem3A_264 = arith.constant 2 : i32
          %rem3A_265 = arith.remui %scan3A_125, %rem3A_264 : i32
          %mul3A_266 = arith.constant 128 : i32
          %mul3A_267 = arith.muli %mul3A_266, %add3A_140 : i32
          %dma_wait3A_268 = arith.constant 0 : i32
          %dma_wait3A_269 = arith.constant 0 : i32
          %dma_wait3A_270 = tpu.memref_slice %run_scoped3A_8[%rem3A_265, %dma_wait3A_268, %dma_wait3A_269] : memref<2x128x256xf32, #tpu.memory_space<vmem>> -> memref<1x128x256xf32, #tpu.memory_space<vmem>>
          %dma_wait3A_271 = tpu.memref_squeeze %dma_wait3A_270 : memref<1x128x256xf32, #tpu.memory_space<vmem>> -> memref<128x256xf32, #tpu.memory_space<vmem>>
          %dma_wait3A_272 = arith.constant 0 : i32
          %dma_wait3A_273 = tpu.memref_slice %arg4[%mul3A_267, %dma_wait3A_272] : memref<16384x256xf32, #tpu.memory_space<hbm>> -> memref<128x256xf32, #tpu.memory_space<hbm>>
          %dma_wait3A_274 = tpu.memref_slice %run_scoped3A_9[%rem3A_265] : memref<2x!tpu.dma_semaphore, #tpu.memory_space<semaphore_mem>> -> memref<1x!tpu.dma_semaphore, #tpu.memory_space<semaphore_mem>>
          %dma_wait3A_275 = tpu.memref_squeeze %dma_wait3A_274 : memref<1x!tpu.dma_semaphore, #tpu.memory_space<semaphore_mem>> -> memref<!tpu.dma_semaphore, #tpu.memory_space<semaphore_mem>>
          %dma_wait3A_276 = arith.constant 0 : i32
          %dma_wait3A_277 = tpu.memref_slice %arg4[%mul3A_267, %dma_wait3A_276] : memref<16384x256xf32, #tpu.memory_space<hbm>> -> memref<128x256xf32, #tpu.memory_space<hbm>>
          %dma_wait3A_278 = arith.constant 0 : i32
          %dma_wait3A_279 = arith.constant 0 : i32
          %dma_wait3A_280 = tpu.memref_slice %run_scoped3A_8[%rem3A_265, %dma_wait3A_278, %dma_wait3A_279] : memref<2x128x256xf32, #tpu.memory_space<vmem>> -> memref<1x128x256xf32, #tpu.memory_space<vmem>>
          %dma_wait3A_281 = tpu.memref_squeeze %dma_wait3A_280 : memref<1x128x256xf32, #tpu.memory_space<vmem>> -> memref<128x256xf32, #tpu.memory_space<vmem>>
          tpu.wait_dma2 semaphore(%dma_wait3A_275 : memref<!tpu.dma_semaphore, #tpu.memory_space<semaphore_mem>>) src(%dma_wait3A_281 : memref<128x256xf32, #tpu.memory_space<vmem>>) dst(%dma_wait3A_277 : memref<128x256xf32, #tpu.memory_space<hbm>>)
          "tpu.trace_stop"() : () -> ()
        } else {
        }
        %and3A_244 = arith.constant true
        %and3A_245 = arith.andi %and3A_240, %and3A_244 : i1
        %add3A_246 = arith.constant 1 : i32
        %add3A_247 = arith.addi %scan3A_125, %add3A_246 : i32
        %select_n3A_248 = arith.select %and3A_245, %add3A_247, %scan3A_125 : i32
        %ne3A_249 = arith.cmpi ne, %add3A_131, %add3A_149 : i32
        %or3A_250 = arith.constant false
        %or3A_251 = arith.ori %or3A_250, %ne3A_249 : i1
        %or3A_252 = arith.ori %or3A_251, %eq3A_130 : i1
        %add3A_253 = arith.constant 1 : i32
        %add3A_254 = arith.addi %scan3A_123, %add3A_253 : i32
        %select_n3A_255 = arith.select %or3A_252, %add3A_254, %scan3A_123 : i32
        %add3A_256 = arith.constant 1 : i32
        %add3A_257 = arith.addi %scan3A_126, %add3A_256 : i32
        %select_n3A_258 = arith.constant true
        %select_n3A_259 = arith.select %select_n3A_258, %add3A_257, %scan3A_126 : i32
        %eq3A_260 = arith.constant 4 : i32
        %eq3A_261 = arith.cmpi eq, %select_n3A_259, %eq3A_260 : i32
        %select_n3A_262 = arith.constant 0 : i32
        %select_n3A_263 = arith.select %eq3A_261, %select_n3A_262, %select_n3A_259 : i32
        scf.yield %select_n3A_167, %select_n3A_255, %select_n3A_221, %select_n3A_248, %select_n3A_263 : i32, i32, i32, i32, i32
      }
      %scan3A_68 = arith.constant 4 : i32
      %sub3A = arith.constant 1 : i32
      %sub3A_69 = arith.subi %scan3A_67#4, %sub3A : i32
      %select_n3A_70 = arith.constant true
      %select_n3A_71 = arith.select %select_n3A_70, %sub3A_69, %scan3A_67#4 : i32
      %eq3A_72 = arith.constant -1 : i32
      %eq3A_73 = arith.cmpi eq, %select_n3A_71, %eq3A_72 : i32
      %select_n3A_74 = arith.constant 3 : i32
      %select_n3A_75 = arith.select %eq3A_73, %select_n3A_74, %select_n3A_71 : i32
      %add3A_76 = arith.addi %select_n3A_75, %mul3A_6 : i32
      %sub3A_77 = arith.constant 1 : i32
      %sub3A_78 = arith.subi %select_n3A_75, %sub3A_77 : i32
      %select_n3A_79 = arith.constant true
      %select_n3A_80 = arith.select %select_n3A_79, %sub3A_78, %select_n3A_75 : i32
      %eq3A_81 = arith.constant -1 : i32
      %eq3A_82 = arith.cmpi eq, %select_n3A_80, %eq3A_81 : i32
      %select_n3A_83 = arith.constant 3 : i32
      %select_n3A_84 = arith.select %eq3A_82, %select_n3A_83, %select_n3A_80 : i32
      %add3A_85 = arith.addi %select_n3A_84, %mul3A_6 : i32
      %add3A_86 = arith.constant 1 : i32
      %add3A_87 = arith.addi %select_n3A_75, %add3A_86 : i32
      %select_n3A_88 = arith.constant true
      %select_n3A_89 = arith.select %select_n3A_88, %add3A_87, %select_n3A_75 : i32
      %eq3A_90 = arith.constant 4 : i32
      %eq3A_91 = arith.cmpi eq, %select_n3A_89, %eq3A_90 : i32
      %select_n3A_92 = arith.constant 0 : i32
      %select_n3A_93 = arith.select %eq3A_91, %select_n3A_92, %select_n3A_89 : i32
      %add3A_94 = arith.addi %select_n3A_93, %mul3A_6 : i32
      %add3A_95 = arith.constant 1 : i32
      %add3A_96 = arith.addi %select_n3A_93, %add3A_95 : i32
      %select_n3A_97 = arith.constant true
      %select_n3A_98 = arith.select %select_n3A_97, %add3A_96, %select_n3A_93 : i32
      %eq3A_99 = arith.constant 4 : i32
      %eq3A_100 = arith.cmpi eq, %select_n3A_98, %eq3A_99 : i32
      %select_n3A_101 = arith.constant 0 : i32
      %select_n3A_102 = arith.select %eq3A_100, %select_n3A_101, %select_n3A_98 : i32
      %add3A_103 = arith.addi %select_n3A_102, %mul3A_6 : i32
      "tpu.trace_start"() <{level = 10 : i32, message = "ep_finalize"}> : () -> ()
      %rem3A_104 = arith.constant 2 : i32
      %rem3A_105 = arith.remui %scan3A_67#3, %rem3A_104 : i32
      %mul3A_106 = arith.constant 128 : i32
      %mul3A_107 = arith.muli %mul3A_106, %add3A_76 : i32
      %dma_wait3A = arith.constant 0 : i32
      %dma_wait3A_108 = arith.constant 0 : i32
      %dma_wait3A_109 = tpu.memref_slice %run_scoped3A_8[%rem3A_105, %dma_wait3A, %dma_wait3A_108] : memref<2x128x256xf32, #tpu.memory_space<vmem>> -> memref<1x128x256xf32, #tpu.memory_space<vmem>>
      %dma_wait3A_110 = tpu.memref_squeeze %dma_wait3A_109 : memref<1x128x256xf32, #tpu.memory_space<vmem>> -> memref<128x256xf32, #tpu.memory_space<vmem>>
      %dma_wait3A_111 = arith.constant 0 : i32
      %dma_wait3A_112 = tpu.memref_slice %arg4[%mul3A_107, %dma_wait3A_111] : memref<16384x256xf32, #tpu.memory_space<hbm>> -> memref<128x256xf32, #tpu.memory_space<hbm>>
      %dma_wait3A_113 = tpu.memref_slice %run_scoped3A_9[%rem3A_105] : memref<2x!tpu.dma_semaphore, #tpu.memory_space<semaphore_mem>> -> memref<1x!tpu.dma_semaphore, #tpu.memory_space<semaphore_mem>>
      %dma_wait3A_114 = tpu.memref_squeeze %dma_wait3A_113 : memref<1x!tpu.dma_semaphore, #tpu.memory_space<semaphore_mem>> -> memref<!tpu.dma_semaphore, #tpu.memory_space<semaphore_mem>>
      %dma_wait3A_115 = arith.constant 0 : i32
      %dma_wait3A_116 = tpu.memref_slice %arg4[%mul3A_107, %dma_wait3A_115] : memref<16384x256xf32, #tpu.memory_space<hbm>> -> memref<128x256xf32, #tpu.memory_space<hbm>>
      %dma_wait3A_117 = arith.constant 0 : i32
      %dma_wait3A_118 = arith.constant 0 : i32
      %dma_wait3A_119 = tpu.memref_slice %run_scoped3A_8[%rem3A_105, %dma_wait3A_117, %dma_wait3A_118] : memref<2x128x256xf32, #tpu.memory_space<vmem>> -> memref<1x128x256xf32, #tpu.memory_space<vmem>>
      %dma_wait3A_120 = tpu.memref_squeeze %dma_wait3A_119 : memref<1x128x256xf32, #tpu.memory_space<vmem>> -> memref<128x256xf32, #tpu.memory_space<vmem>>
      tpu.wait_dma2 semaphore(%dma_wait3A_114 : memref<!tpu.dma_semaphore, #tpu.memory_space<semaphore_mem>>) src(%dma_wait3A_120 : memref<128x256xf32, #tpu.memory_space<vmem>>) dst(%dma_wait3A_116 : memref<128x256xf32, #tpu.memory_space<hbm>>)
      "tpu.trace_stop"() : () -> ()
      tpu.yield
    }) : () -> ()
    return
  }
}

module attributes {stable_mosaic.version = 14 : i64} {
  func.func @_argmin_body(%arg0: i32, %arg1: memref<2048x256xbf16, #tpu.memory_space<vmem>>, %arg2: memref<8192x256xf32, #tpu.memory_space<vmem>>, %arg3: memref<2048x1xf32, #tpu.memory_space<vmem>>, %arg4: memref<1x8192xf32, #tpu.memory_space<vmem>>, %arg5: memref<2048x1xi32, #tpu.memory_space<vmem>>) attributes {dimension_semantics = [#tpu.dimension_semantics<parallel>], iteration_bounds = array<i64: 8>, scalar_prefetch = 0 : i64, scratch_operands = 0 : i64, tpu.core_type = #tpu.core_type<tc>, window_params = [{transform_indices = @transform_0, window_bounds = array<i64: 2048, 256>}, {pipeline_mode = #tpu.pipeline_mode<synchronous>, transform_indices = @transform_1, window_bounds = array<i64: 8192, 256>}, {transform_indices = @transform_2, window_bounds = array<i64: 2048, 1>}, {pipeline_mode = #tpu.pipeline_mode<synchronous>, transform_indices = @transform_3, window_bounds = array<i64: 1, 8192>}, {transform_indices = @transform_4, window_bounds = array<i64: 2048, 1>}]} {
    %get3A = arith.constant 0 : index
    %get3A_0 = arith.constant 0 : index
    %get3A_1 = vector.load %arg1[%get3A, %get3A_0] : memref<2048x256xbf16, #tpu.memory_space<vmem>>, vector<2048x256xbf16>
    %get3A_2 = arith.constant 0 : index
    %get3A_3 = arith.constant 0 : index
    %get3A_4 = vector.load %arg3[%get3A_2, %get3A_3] : memref<2048x1xf32, #tpu.memory_space<vmem>>, vector<2048x1xf32>
    %broadcast_in_dim3A = arith.constant 0x7F800000 : f32
    %broadcast_in_dim3A_5 = vector.broadcast %broadcast_in_dim3A : f32 to vector<2048x1xf32>
    %broadcast_in_dim3A_6 = arith.constant 0 : i32
    %broadcast_in_dim3A_7 = vector.broadcast %broadcast_in_dim3A_6 : i32 to vector<2048x1xi32>
    %iota3A = tpu.iota {dimensions = array<i32: 1>} : vector<2048x128xi32>
    %get3A_8 = arith.constant 0 : index
    %get3A_9 = arith.constant 0 : index
    %get3A_10 = vector.load %arg2[%get3A_8, %get3A_9] : memref<8192x256xf32, #tpu.memory_space<vmem>>, vector<4096x256xf32>
    %get3A_11 = arith.constant 0 : index
    %get3A_12 = arith.constant 0 : index
    %get3A_13 = vector.load %arg4[%get3A_11, %get3A_12] : memref<1x8192xf32, #tpu.memory_space<vmem>>, vector<1x4096xf32>
    %dot_general3A = arith.constant dense<0.000000e+00> : vector<2048x4096xf32>
    %dot_general3A_14 = tpu.matmul %get3A_1, %get3A_10, %dot_general3A {dimension_numbers = #tpu.dot_dimension_numbers<[1], [1], [0], [0], [0, 0, 1, 0], [], []>, transpose_lhs_hint = false} : vector<2048x256xbf16>, vector<4096x256xf32>, vector<2048x4096xf32> -> vector<2048x4096xf32>
    %slice3A = vector.extract_strided_slice %dot_general3A_14 {offsets = [0, 0], sizes = [2048, 128], strides = [1, 1]} : vector<2048x4096xf32> to vector<2048x128xf32>
    %sub3A = vector.broadcast %get3A_4 : vector<2048x1xf32> to vector<2048x128xf32>
    %sub3A_15 = arith.subf %sub3A, %slice3A : vector<2048x128xf32>
    %slice3A_16 = vector.extract_strided_slice %get3A_13 {offsets = [0, 0], sizes = [1, 128], strides = [1, 1]} : vector<1x4096xf32> to vector<1x128xf32>
    %add3A = vector.broadcast %slice3A_16 : vector<1x128xf32> to vector<2048x128xf32>
    %add3A_17 = arith.addf %sub3A_15, %add3A : vector<2048x128xf32>
    %broadcast_in_dim3A_18 = arith.constant 0 : i32
    %broadcast_in_dim3A_19 = vector.broadcast %broadcast_in_dim3A_18 : i32 to vector<2048x128xi32>
    %slice3A_20 = vector.extract_strided_slice %dot_general3A_14 {offsets = [0, 128], sizes = [2048, 128], strides = [1, 1]} : vector<2048x4096xf32> to vector<2048x128xf32>
    %sub3A_21 = vector.broadcast %get3A_4 : vector<2048x1xf32> to vector<2048x128xf32>
    %sub3A_22 = arith.subf %sub3A_21, %slice3A_20 : vector<2048x128xf32>
    %slice3A_23 = vector.extract_strided_slice %get3A_13 {offsets = [0, 128], sizes = [1, 128], strides = [1, 1]} : vector<1x4096xf32> to vector<1x128xf32>
    %add3A_24 = vector.broadcast %slice3A_23 : vector<1x128xf32> to vector<2048x128xf32>
    %add3A_25 = arith.addf %sub3A_22, %add3A_24 : vector<2048x128xf32>
    %lt3A = arith.cmpf olt, %add3A_25, %add3A_17 : vector<2048x128xf32>
    %select_n3A = arith.select %lt3A, %add3A_25, %add3A_17 : vector<2048x128xi1>, vector<2048x128xf32>
    %jit3A = arith.constant 1 : i32
    %broadcast_in_dim3A_26 = vector.broadcast %jit3A : i32 to vector<2048x128xi32>
    %select_n3A_27 = arith.select %lt3A, %broadcast_in_dim3A_26, %broadcast_in_dim3A_19 : vector<2048x128xi1>, vector<2048x128xi32>
    %slice3A_28 = vector.extract_strided_slice %dot_general3A_14 {offsets = [0, 256], sizes = [2048, 128], strides = [1, 1]} : vector<2048x4096xf32> to vector<2048x128xf32>
    %sub3A_29 = vector.broadcast %get3A_4 : vector<2048x1xf32> to vector<2048x128xf32>
    %sub3A_30 = arith.subf %sub3A_29, %slice3A_28 : vector<2048x128xf32>
    %slice3A_31 = vector.extract_strided_slice %get3A_13 {offsets = [0, 256], sizes = [1, 128], strides = [1, 1]} : vector<1x4096xf32> to vector<1x128xf32>
    %add3A_32 = vector.broadcast %slice3A_31 : vector<1x128xf32> to vector<2048x128xf32>
    %add3A_33 = arith.addf %sub3A_30, %add3A_32 : vector<2048x128xf32>
    %lt3A_34 = arith.cmpf olt, %add3A_33, %select_n3A : vector<2048x128xf32>
    %select_n3A_35 = arith.select %lt3A_34, %add3A_33, %select_n3A : vector<2048x128xi1>, vector<2048x128xf32>
    %jit3A_36 = arith.constant 2 : i32
    %broadcast_in_dim3A_37 = vector.broadcast %jit3A_36 : i32 to vector<2048x128xi32>
    %select_n3A_38 = arith.select %lt3A_34, %broadcast_in_dim3A_37, %select_n3A_27 : vector<2048x128xi1>, vector<2048x128xi32>
    %slice3A_39 = vector.extract_strided_slice %dot_general3A_14 {offsets = [0, 384], sizes = [2048, 128], strides = [1, 1]} : vector<2048x4096xf32> to vector<2048x128xf32>
    %sub3A_40 = vector.broadcast %get3A_4 : vector<2048x1xf32> to vector<2048x128xf32>
    %sub3A_41 = arith.subf %sub3A_40, %slice3A_39 : vector<2048x128xf32>
    %slice3A_42 = vector.extract_strided_slice %get3A_13 {offsets = [0, 384], sizes = [1, 128], strides = [1, 1]} : vector<1x4096xf32> to vector<1x128xf32>
    %add3A_43 = vector.broadcast %slice3A_42 : vector<1x128xf32> to vector<2048x128xf32>
    %add3A_44 = arith.addf %sub3A_41, %add3A_43 : vector<2048x128xf32>
    %lt3A_45 = arith.cmpf olt, %add3A_44, %select_n3A_35 : vector<2048x128xf32>
    %select_n3A_46 = arith.select %lt3A_45, %add3A_44, %select_n3A_35 : vector<2048x128xi1>, vector<2048x128xf32>
    %jit3A_47 = arith.constant 3 : i32
    %broadcast_in_dim3A_48 = vector.broadcast %jit3A_47 : i32 to vector<2048x128xi32>
    %select_n3A_49 = arith.select %lt3A_45, %broadcast_in_dim3A_48, %select_n3A_38 : vector<2048x128xi1>, vector<2048x128xi32>
    %slice3A_50 = vector.extract_strided_slice %dot_general3A_14 {offsets = [0, 512], sizes = [2048, 128], strides = [1, 1]} : vector<2048x4096xf32> to vector<2048x128xf32>
    %sub3A_51 = vector.broadcast %get3A_4 : vector<2048x1xf32> to vector<2048x128xf32>
    %sub3A_52 = arith.subf %sub3A_51, %slice3A_50 : vector<2048x128xf32>
    %slice3A_53 = vector.extract_strided_slice %get3A_13 {offsets = [0, 512], sizes = [1, 128], strides = [1, 1]} : vector<1x4096xf32> to vector<1x128xf32>
    %add3A_54 = vector.broadcast %slice3A_53 : vector<1x128xf32> to vector<2048x128xf32>
    %add3A_55 = arith.addf %sub3A_52, %add3A_54 : vector<2048x128xf32>
    %lt3A_56 = arith.cmpf olt, %add3A_55, %select_n3A_46 : vector<2048x128xf32>
    %select_n3A_57 = arith.select %lt3A_56, %add3A_55, %select_n3A_46 : vector<2048x128xi1>, vector<2048x128xf32>
    %jit3A_58 = arith.constant 4 : i32
    %broadcast_in_dim3A_59 = vector.broadcast %jit3A_58 : i32 to vector<2048x128xi32>
    %select_n3A_60 = arith.select %lt3A_56, %broadcast_in_dim3A_59, %select_n3A_49 : vector<2048x128xi1>, vector<2048x128xi32>
    %slice3A_61 = vector.extract_strided_slice %dot_general3A_14 {offsets = [0, 640], sizes = [2048, 128], strides = [1, 1]} : vector<2048x4096xf32> to vector<2048x128xf32>
    %sub3A_62 = vector.broadcast %get3A_4 : vector<2048x1xf32> to vector<2048x128xf32>
    %sub3A_63 = arith.subf %sub3A_62, %slice3A_61 : vector<2048x128xf32>
    %slice3A_64 = vector.extract_strided_slice %get3A_13 {offsets = [0, 640], sizes = [1, 128], strides = [1, 1]} : vector<1x4096xf32> to vector<1x128xf32>
    %add3A_65 = vector.broadcast %slice3A_64 : vector<1x128xf32> to vector<2048x128xf32>
    %add3A_66 = arith.addf %sub3A_63, %add3A_65 : vector<2048x128xf32>
    %lt3A_67 = arith.cmpf olt, %add3A_66, %select_n3A_57 : vector<2048x128xf32>
    %select_n3A_68 = arith.select %lt3A_67, %add3A_66, %select_n3A_57 : vector<2048x128xi1>, vector<2048x128xf32>
    %jit3A_69 = arith.constant 5 : i32
    %broadcast_in_dim3A_70 = vector.broadcast %jit3A_69 : i32 to vector<2048x128xi32>
    %select_n3A_71 = arith.select %lt3A_67, %broadcast_in_dim3A_70, %select_n3A_60 : vector<2048x128xi1>, vector<2048x128xi32>
    %slice3A_72 = vector.extract_strided_slice %dot_general3A_14 {offsets = [0, 768], sizes = [2048, 128], strides = [1, 1]} : vector<2048x4096xf32> to vector<2048x128xf32>
    %sub3A_73 = vector.broadcast %get3A_4 : vector<2048x1xf32> to vector<2048x128xf32>
    %sub3A_74 = arith.subf %sub3A_73, %slice3A_72 : vector<2048x128xf32>
    %slice3A_75 = vector.extract_strided_slice %get3A_13 {offsets = [0, 768], sizes = [1, 128], strides = [1, 1]} : vector<1x4096xf32> to vector<1x128xf32>
    %add3A_76 = vector.broadcast %slice3A_75 : vector<1x128xf32> to vector<2048x128xf32>
    %add3A_77 = arith.addf %sub3A_74, %add3A_76 : vector<2048x128xf32>
    %lt3A_78 = arith.cmpf olt, %add3A_77, %select_n3A_68 : vector<2048x128xf32>
    %select_n3A_79 = arith.select %lt3A_78, %add3A_77, %select_n3A_68 : vector<2048x128xi1>, vector<2048x128xf32>
    %jit3A_80 = arith.constant 6 : i32
    %broadcast_in_dim3A_81 = vector.broadcast %jit3A_80 : i32 to vector<2048x128xi32>
    %select_n3A_82 = arith.select %lt3A_78, %broadcast_in_dim3A_81, %select_n3A_71 : vector<2048x128xi1>, vector<2048x128xi32>
    %slice3A_83 = vector.extract_strided_slice %dot_general3A_14 {offsets = [0, 896], sizes = [2048, 128], strides = [1, 1]} : vector<2048x4096xf32> to vector<2048x128xf32>
    %sub3A_84 = vector.broadcast %get3A_4 : vector<2048x1xf32> to vector<2048x128xf32>
    %sub3A_85 = arith.subf %sub3A_84, %slice3A_83 : vector<2048x128xf32>
    %slice3A_86 = vector.extract_strided_slice %get3A_13 {offsets = [0, 896], sizes = [1, 128], strides = [1, 1]} : vector<1x4096xf32> to vector<1x128xf32>
    %add3A_87 = vector.broadcast %slice3A_86 : vector<1x128xf32> to vector<2048x128xf32>
    %add3A_88 = arith.addf %sub3A_85, %add3A_87 : vector<2048x128xf32>
    %lt3A_89 = arith.cmpf olt, %add3A_88, %select_n3A_79 : vector<2048x128xf32>
    %select_n3A_90 = arith.select %lt3A_89, %add3A_88, %select_n3A_79 : vector<2048x128xi1>, vector<2048x128xf32>
    %jit3A_91 = arith.constant 7 : i32
    %broadcast_in_dim3A_92 = vector.broadcast %jit3A_91 : i32 to vector<2048x128xi32>
    %select_n3A_93 = arith.select %lt3A_89, %broadcast_in_dim3A_92, %select_n3A_82 : vector<2048x128xi1>, vector<2048x128xi32>
    %slice3A_94 = vector.extract_strided_slice %dot_general3A_14 {offsets = [0, 1024], sizes = [2048, 128], strides = [1, 1]} : vector<2048x4096xf32> to vector<2048x128xf32>
    %sub3A_95 = vector.broadcast %get3A_4 : vector<2048x1xf32> to vector<2048x128xf32>
    %sub3A_96 = arith.subf %sub3A_95, %slice3A_94 : vector<2048x128xf32>
    %slice3A_97 = vector.extract_strided_slice %get3A_13 {offsets = [0, 1024], sizes = [1, 128], strides = [1, 1]} : vector<1x4096xf32> to vector<1x128xf32>
    %add3A_98 = vector.broadcast %slice3A_97 : vector<1x128xf32> to vector<2048x128xf32>
    %add3A_99 = arith.addf %sub3A_96, %add3A_98 : vector<2048x128xf32>
    %lt3A_100 = arith.cmpf olt, %add3A_99, %select_n3A_90 : vector<2048x128xf32>
    %select_n3A_101 = arith.select %lt3A_100, %add3A_99, %select_n3A_90 : vector<2048x128xi1>, vector<2048x128xf32>
    %jit3A_102 = arith.constant 8 : i32
    %broadcast_in_dim3A_103 = vector.broadcast %jit3A_102 : i32 to vector<2048x128xi32>
    %select_n3A_104 = arith.select %lt3A_100, %broadcast_in_dim3A_103, %select_n3A_93 : vector<2048x128xi1>, vector<2048x128xi32>
    %slice3A_105 = vector.extract_strided_slice %dot_general3A_14 {offsets = [0, 1152], sizes = [2048, 128], strides = [1, 1]} : vector<2048x4096xf32> to vector<2048x128xf32>
    %sub3A_106 = vector.broadcast %get3A_4 : vector<2048x1xf32> to vector<2048x128xf32>
    %sub3A_107 = arith.subf %sub3A_106, %slice3A_105 : vector<2048x128xf32>
    %slice3A_108 = vector.extract_strided_slice %get3A_13 {offsets = [0, 1152], sizes = [1, 128], strides = [1, 1]} : vector<1x4096xf32> to vector<1x128xf32>
    %add3A_109 = vector.broadcast %slice3A_108 : vector<1x128xf32> to vector<2048x128xf32>
    %add3A_110 = arith.addf %sub3A_107, %add3A_109 : vector<2048x128xf32>
    %lt3A_111 = arith.cmpf olt, %add3A_110, %select_n3A_101 : vector<2048x128xf32>
    %select_n3A_112 = arith.select %lt3A_111, %add3A_110, %select_n3A_101 : vector<2048x128xi1>, vector<2048x128xf32>
    %jit3A_113 = arith.constant 9 : i32
    %broadcast_in_dim3A_114 = vector.broadcast %jit3A_113 : i32 to vector<2048x128xi32>
    %select_n3A_115 = arith.select %lt3A_111, %broadcast_in_dim3A_114, %select_n3A_104 : vector<2048x128xi1>, vector<2048x128xi32>
    %slice3A_116 = vector.extract_strided_slice %dot_general3A_14 {offsets = [0, 1280], sizes = [2048, 128], strides = [1, 1]} : vector<2048x4096xf32> to vector<2048x128xf32>
    %sub3A_117 = vector.broadcast %get3A_4 : vector<2048x1xf32> to vector<2048x128xf32>
    %sub3A_118 = arith.subf %sub3A_117, %slice3A_116 : vector<2048x128xf32>
    %slice3A_119 = vector.extract_strided_slice %get3A_13 {offsets = [0, 1280], sizes = [1, 128], strides = [1, 1]} : vector<1x4096xf32> to vector<1x128xf32>
    %add3A_120 = vector.broadcast %slice3A_119 : vector<1x128xf32> to vector<2048x128xf32>
    %add3A_121 = arith.addf %sub3A_118, %add3A_120 : vector<2048x128xf32>
    %lt3A_122 = arith.cmpf olt, %add3A_121, %select_n3A_112 : vector<2048x128xf32>
    %select_n3A_123 = arith.select %lt3A_122, %add3A_121, %select_n3A_112 : vector<2048x128xi1>, vector<2048x128xf32>
    %jit3A_124 = arith.constant 10 : i32
    %broadcast_in_dim3A_125 = vector.broadcast %jit3A_124 : i32 to vector<2048x128xi32>
    %select_n3A_126 = arith.select %lt3A_122, %broadcast_in_dim3A_125, %select_n3A_115 : vector<2048x128xi1>, vector<2048x128xi32>
    %slice3A_127 = vector.extract_strided_slice %dot_general3A_14 {offsets = [0, 1408], sizes = [2048, 128], strides = [1, 1]} : vector<2048x4096xf32> to vector<2048x128xf32>
    %sub3A_128 = vector.broadcast %get3A_4 : vector<2048x1xf32> to vector<2048x128xf32>
    %sub3A_129 = arith.subf %sub3A_128, %slice3A_127 : vector<2048x128xf32>
    %slice3A_130 = vector.extract_strided_slice %get3A_13 {offsets = [0, 1408], sizes = [1, 128], strides = [1, 1]} : vector<1x4096xf32> to vector<1x128xf32>
    %add3A_131 = vector.broadcast %slice3A_130 : vector<1x128xf32> to vector<2048x128xf32>
    %add3A_132 = arith.addf %sub3A_129, %add3A_131 : vector<2048x128xf32>
    %lt3A_133 = arith.cmpf olt, %add3A_132, %select_n3A_123 : vector<2048x128xf32>
    %select_n3A_134 = arith.select %lt3A_133, %add3A_132, %select_n3A_123 : vector<2048x128xi1>, vector<2048x128xf32>
    %jit3A_135 = arith.constant 11 : i32
    %broadcast_in_dim3A_136 = vector.broadcast %jit3A_135 : i32 to vector<2048x128xi32>
    %select_n3A_137 = arith.select %lt3A_133, %broadcast_in_dim3A_136, %select_n3A_126 : vector<2048x128xi1>, vector<2048x128xi32>
    %slice3A_138 = vector.extract_strided_slice %dot_general3A_14 {offsets = [0, 1536], sizes = [2048, 128], strides = [1, 1]} : vector<2048x4096xf32> to vector<2048x128xf32>
    %sub3A_139 = vector.broadcast %get3A_4 : vector<2048x1xf32> to vector<2048x128xf32>
    %sub3A_140 = arith.subf %sub3A_139, %slice3A_138 : vector<2048x128xf32>
    %slice3A_141 = vector.extract_strided_slice %get3A_13 {offsets = [0, 1536], sizes = [1, 128], strides = [1, 1]} : vector<1x4096xf32> to vector<1x128xf32>
    %add3A_142 = vector.broadcast %slice3A_141 : vector<1x128xf32> to vector<2048x128xf32>
    %add3A_143 = arith.addf %sub3A_140, %add3A_142 : vector<2048x128xf32>
    %lt3A_144 = arith.cmpf olt, %add3A_143, %select_n3A_134 : vector<2048x128xf32>
    %select_n3A_145 = arith.select %lt3A_144, %add3A_143, %select_n3A_134 : vector<2048x128xi1>, vector<2048x128xf32>
    %jit3A_146 = arith.constant 12 : i32
    %broadcast_in_dim3A_147 = vector.broadcast %jit3A_146 : i32 to vector<2048x128xi32>
    %select_n3A_148 = arith.select %lt3A_144, %broadcast_in_dim3A_147, %select_n3A_137 : vector<2048x128xi1>, vector<2048x128xi32>
    %slice3A_149 = vector.extract_strided_slice %dot_general3A_14 {offsets = [0, 1664], sizes = [2048, 128], strides = [1, 1]} : vector<2048x4096xf32> to vector<2048x128xf32>
    %sub3A_150 = vector.broadcast %get3A_4 : vector<2048x1xf32> to vector<2048x128xf32>
    %sub3A_151 = arith.subf %sub3A_150, %slice3A_149 : vector<2048x128xf32>
    %slice3A_152 = vector.extract_strided_slice %get3A_13 {offsets = [0, 1664], sizes = [1, 128], strides = [1, 1]} : vector<1x4096xf32> to vector<1x128xf32>
    %add3A_153 = vector.broadcast %slice3A_152 : vector<1x128xf32> to vector<2048x128xf32>
    %add3A_154 = arith.addf %sub3A_151, %add3A_153 : vector<2048x128xf32>
    %lt3A_155 = arith.cmpf olt, %add3A_154, %select_n3A_145 : vector<2048x128xf32>
    %select_n3A_156 = arith.select %lt3A_155, %add3A_154, %select_n3A_145 : vector<2048x128xi1>, vector<2048x128xf32>
    %jit3A_157 = arith.constant 13 : i32
    %broadcast_in_dim3A_158 = vector.broadcast %jit3A_157 : i32 to vector<2048x128xi32>
    %select_n3A_159 = arith.select %lt3A_155, %broadcast_in_dim3A_158, %select_n3A_148 : vector<2048x128xi1>, vector<2048x128xi32>
    %slice3A_160 = vector.extract_strided_slice %dot_general3A_14 {offsets = [0, 1792], sizes = [2048, 128], strides = [1, 1]} : vector<2048x4096xf32> to vector<2048x128xf32>
    %sub3A_161 = vector.broadcast %get3A_4 : vector<2048x1xf32> to vector<2048x128xf32>
    %sub3A_162 = arith.subf %sub3A_161, %slice3A_160 : vector<2048x128xf32>
    %slice3A_163 = vector.extract_strided_slice %get3A_13 {offsets = [0, 1792], sizes = [1, 128], strides = [1, 1]} : vector<1x4096xf32> to vector<1x128xf32>
    %add3A_164 = vector.broadcast %slice3A_163 : vector<1x128xf32> to vector<2048x128xf32>
    %add3A_165 = arith.addf %sub3A_162, %add3A_164 : vector<2048x128xf32>
    %lt3A_166 = arith.cmpf olt, %add3A_165, %select_n3A_156 : vector<2048x128xf32>
    %select_n3A_167 = arith.select %lt3A_166, %add3A_165, %select_n3A_156 : vector<2048x128xi1>, vector<2048x128xf32>
    %jit3A_168 = arith.constant 14 : i32
    %broadcast_in_dim3A_169 = vector.broadcast %jit3A_168 : i32 to vector<2048x128xi32>
    %select_n3A_170 = arith.select %lt3A_166, %broadcast_in_dim3A_169, %select_n3A_159 : vector<2048x128xi1>, vector<2048x128xi32>
    %slice3A_171 = vector.extract_strided_slice %dot_general3A_14 {offsets = [0, 1920], sizes = [2048, 128], strides = [1, 1]} : vector<2048x4096xf32> to vector<2048x128xf32>
    %sub3A_172 = vector.broadcast %get3A_4 : vector<2048x1xf32> to vector<2048x128xf32>
    %sub3A_173 = arith.subf %sub3A_172, %slice3A_171 : vector<2048x128xf32>
    %slice3A_174 = vector.extract_strided_slice %get3A_13 {offsets = [0, 1920], sizes = [1, 128], strides = [1, 1]} : vector<1x4096xf32> to vector<1x128xf32>
    %add3A_175 = vector.broadcast %slice3A_174 : vector<1x128xf32> to vector<2048x128xf32>
    %add3A_176 = arith.addf %sub3A_173, %add3A_175 : vector<2048x128xf32>
    %lt3A_177 = arith.cmpf olt, %add3A_176, %select_n3A_167 : vector<2048x128xf32>
    %select_n3A_178 = arith.select %lt3A_177, %add3A_176, %select_n3A_167 : vector<2048x128xi1>, vector<2048x128xf32>
    %jit3A_179 = arith.constant 15 : i32
    %broadcast_in_dim3A_180 = vector.broadcast %jit3A_179 : i32 to vector<2048x128xi32>
    %select_n3A_181 = arith.select %lt3A_177, %broadcast_in_dim3A_180, %select_n3A_170 : vector<2048x128xi1>, vector<2048x128xi32>
    %slice3A_182 = vector.extract_strided_slice %dot_general3A_14 {offsets = [0, 2048], sizes = [2048, 128], strides = [1, 1]} : vector<2048x4096xf32> to vector<2048x128xf32>
    %sub3A_183 = vector.broadcast %get3A_4 : vector<2048x1xf32> to vector<2048x128xf32>
    %sub3A_184 = arith.subf %sub3A_183, %slice3A_182 : vector<2048x128xf32>
    %slice3A_185 = vector.extract_strided_slice %get3A_13 {offsets = [0, 2048], sizes = [1, 128], strides = [1, 1]} : vector<1x4096xf32> to vector<1x128xf32>
    %add3A_186 = vector.broadcast %slice3A_185 : vector<1x128xf32> to vector<2048x128xf32>
    %add3A_187 = arith.addf %sub3A_184, %add3A_186 : vector<2048x128xf32>
    %lt3A_188 = arith.cmpf olt, %add3A_187, %select_n3A_178 : vector<2048x128xf32>
    %select_n3A_189 = arith.select %lt3A_188, %add3A_187, %select_n3A_178 : vector<2048x128xi1>, vector<2048x128xf32>
    %jit3A_190 = arith.constant 16 : i32
    %broadcast_in_dim3A_191 = vector.broadcast %jit3A_190 : i32 to vector<2048x128xi32>
    %select_n3A_192 = arith.select %lt3A_188, %broadcast_in_dim3A_191, %select_n3A_181 : vector<2048x128xi1>, vector<2048x128xi32>
    %slice3A_193 = vector.extract_strided_slice %dot_general3A_14 {offsets = [0, 2176], sizes = [2048, 128], strides = [1, 1]} : vector<2048x4096xf32> to vector<2048x128xf32>
    %sub3A_194 = vector.broadcast %get3A_4 : vector<2048x1xf32> to vector<2048x128xf32>
    %sub3A_195 = arith.subf %sub3A_194, %slice3A_193 : vector<2048x128xf32>
    %slice3A_196 = vector.extract_strided_slice %get3A_13 {offsets = [0, 2176], sizes = [1, 128], strides = [1, 1]} : vector<1x4096xf32> to vector<1x128xf32>
    %add3A_197 = vector.broadcast %slice3A_196 : vector<1x128xf32> to vector<2048x128xf32>
    %add3A_198 = arith.addf %sub3A_195, %add3A_197 : vector<2048x128xf32>
    %lt3A_199 = arith.cmpf olt, %add3A_198, %select_n3A_189 : vector<2048x128xf32>
    %select_n3A_200 = arith.select %lt3A_199, %add3A_198, %select_n3A_189 : vector<2048x128xi1>, vector<2048x128xf32>
    %jit3A_201 = arith.constant 17 : i32
    %broadcast_in_dim3A_202 = vector.broadcast %jit3A_201 : i32 to vector<2048x128xi32>
    %select_n3A_203 = arith.select %lt3A_199, %broadcast_in_dim3A_202, %select_n3A_192 : vector<2048x128xi1>, vector<2048x128xi32>
    %slice3A_204 = vector.extract_strided_slice %dot_general3A_14 {offsets = [0, 2304], sizes = [2048, 128], strides = [1, 1]} : vector<2048x4096xf32> to vector<2048x128xf32>
    %sub3A_205 = vector.broadcast %get3A_4 : vector<2048x1xf32> to vector<2048x128xf32>
    %sub3A_206 = arith.subf %sub3A_205, %slice3A_204 : vector<2048x128xf32>
    %slice3A_207 = vector.extract_strided_slice %get3A_13 {offsets = [0, 2304], sizes = [1, 128], strides = [1, 1]} : vector<1x4096xf32> to vector<1x128xf32>
    %add3A_208 = vector.broadcast %slice3A_207 : vector<1x128xf32> to vector<2048x128xf32>
    %add3A_209 = arith.addf %sub3A_206, %add3A_208 : vector<2048x128xf32>
    %lt3A_210 = arith.cmpf olt, %add3A_209, %select_n3A_200 : vector<2048x128xf32>
    %select_n3A_211 = arith.select %lt3A_210, %add3A_209, %select_n3A_200 : vector<2048x128xi1>, vector<2048x128xf32>
    %jit3A_212 = arith.constant 18 : i32
    %broadcast_in_dim3A_213 = vector.broadcast %jit3A_212 : i32 to vector<2048x128xi32>
    %select_n3A_214 = arith.select %lt3A_210, %broadcast_in_dim3A_213, %select_n3A_203 : vector<2048x128xi1>, vector<2048x128xi32>
    %slice3A_215 = vector.extract_strided_slice %dot_general3A_14 {offsets = [0, 2432], sizes = [2048, 128], strides = [1, 1]} : vector<2048x4096xf32> to vector<2048x128xf32>
    %sub3A_216 = vector.broadcast %get3A_4 : vector<2048x1xf32> to vector<2048x128xf32>
    %sub3A_217 = arith.subf %sub3A_216, %slice3A_215 : vector<2048x128xf32>
    %slice3A_218 = vector.extract_strided_slice %get3A_13 {offsets = [0, 2432], sizes = [1, 128], strides = [1, 1]} : vector<1x4096xf32> to vector<1x128xf32>
    %add3A_219 = vector.broadcast %slice3A_218 : vector<1x128xf32> to vector<2048x128xf32>
    %add3A_220 = arith.addf %sub3A_217, %add3A_219 : vector<2048x128xf32>
    %lt3A_221 = arith.cmpf olt, %add3A_220, %select_n3A_211 : vector<2048x128xf32>
    %select_n3A_222 = arith.select %lt3A_221, %add3A_220, %select_n3A_211 : vector<2048x128xi1>, vector<2048x128xf32>
    %jit3A_223 = arith.constant 19 : i32
    %broadcast_in_dim3A_224 = vector.broadcast %jit3A_223 : i32 to vector<2048x128xi32>
    %select_n3A_225 = arith.select %lt3A_221, %broadcast_in_dim3A_224, %select_n3A_214 : vector<2048x128xi1>, vector<2048x128xi32>
    %slice3A_226 = vector.extract_strided_slice %dot_general3A_14 {offsets = [0, 2560], sizes = [2048, 128], strides = [1, 1]} : vector<2048x4096xf32> to vector<2048x128xf32>
    %sub3A_227 = vector.broadcast %get3A_4 : vector<2048x1xf32> to vector<2048x128xf32>
    %sub3A_228 = arith.subf %sub3A_227, %slice3A_226 : vector<2048x128xf32>
    %slice3A_229 = vector.extract_strided_slice %get3A_13 {offsets = [0, 2560], sizes = [1, 128], strides = [1, 1]} : vector<1x4096xf32> to vector<1x128xf32>
    %add3A_230 = vector.broadcast %slice3A_229 : vector<1x128xf32> to vector<2048x128xf32>
    %add3A_231 = arith.addf %sub3A_228, %add3A_230 : vector<2048x128xf32>
    %lt3A_232 = arith.cmpf olt, %add3A_231, %select_n3A_222 : vector<2048x128xf32>
    %select_n3A_233 = arith.select %lt3A_232, %add3A_231, %select_n3A_222 : vector<2048x128xi1>, vector<2048x128xf32>
    %jit3A_234 = arith.constant 20 : i32
    %broadcast_in_dim3A_235 = vector.broadcast %jit3A_234 : i32 to vector<2048x128xi32>
    %select_n3A_236 = arith.select %lt3A_232, %broadcast_in_dim3A_235, %select_n3A_225 : vector<2048x128xi1>, vector<2048x128xi32>
    %slice3A_237 = vector.extract_strided_slice %dot_general3A_14 {offsets = [0, 2688], sizes = [2048, 128], strides = [1, 1]} : vector<2048x4096xf32> to vector<2048x128xf32>
    %sub3A_238 = vector.broadcast %get3A_4 : vector<2048x1xf32> to vector<2048x128xf32>
    %sub3A_239 = arith.subf %sub3A_238, %slice3A_237 : vector<2048x128xf32>
    %slice3A_240 = vector.extract_strided_slice %get3A_13 {offsets = [0, 2688], sizes = [1, 128], strides = [1, 1]} : vector<1x4096xf32> to vector<1x128xf32>
    %add3A_241 = vector.broadcast %slice3A_240 : vector<1x128xf32> to vector<2048x128xf32>
    %add3A_242 = arith.addf %sub3A_239, %add3A_241 : vector<2048x128xf32>
    %lt3A_243 = arith.cmpf olt, %add3A_242, %select_n3A_233 : vector<2048x128xf32>
    %select_n3A_244 = arith.select %lt3A_243, %add3A_242, %select_n3A_233 : vector<2048x128xi1>, vector<2048x128xf32>
    %jit3A_245 = arith.constant 21 : i32
    %broadcast_in_dim3A_246 = vector.broadcast %jit3A_245 : i32 to vector<2048x128xi32>
    %select_n3A_247 = arith.select %lt3A_243, %broadcast_in_dim3A_246, %select_n3A_236 : vector<2048x128xi1>, vector<2048x128xi32>
    %slice3A_248 = vector.extract_strided_slice %dot_general3A_14 {offsets = [0, 2816], sizes = [2048, 128], strides = [1, 1]} : vector<2048x4096xf32> to vector<2048x128xf32>
    %sub3A_249 = vector.broadcast %get3A_4 : vector<2048x1xf32> to vector<2048x128xf32>
    %sub3A_250 = arith.subf %sub3A_249, %slice3A_248 : vector<2048x128xf32>
    %slice3A_251 = vector.extract_strided_slice %get3A_13 {offsets = [0, 2816], sizes = [1, 128], strides = [1, 1]} : vector<1x4096xf32> to vector<1x128xf32>
    %add3A_252 = vector.broadcast %slice3A_251 : vector<1x128xf32> to vector<2048x128xf32>
    %add3A_253 = arith.addf %sub3A_250, %add3A_252 : vector<2048x128xf32>
    %lt3A_254 = arith.cmpf olt, %add3A_253, %select_n3A_244 : vector<2048x128xf32>
    %select_n3A_255 = arith.select %lt3A_254, %add3A_253, %select_n3A_244 : vector<2048x128xi1>, vector<2048x128xf32>
    %jit3A_256 = arith.constant 22 : i32
    %broadcast_in_dim3A_257 = vector.broadcast %jit3A_256 : i32 to vector<2048x128xi32>
    %select_n3A_258 = arith.select %lt3A_254, %broadcast_in_dim3A_257, %select_n3A_247 : vector<2048x128xi1>, vector<2048x128xi32>
    %slice3A_259 = vector.extract_strided_slice %dot_general3A_14 {offsets = [0, 2944], sizes = [2048, 128], strides = [1, 1]} : vector<2048x4096xf32> to vector<2048x128xf32>
    %sub3A_260 = vector.broadcast %get3A_4 : vector<2048x1xf32> to vector<2048x128xf32>
    %sub3A_261 = arith.subf %sub3A_260, %slice3A_259 : vector<2048x128xf32>
    %slice3A_262 = vector.extract_strided_slice %get3A_13 {offsets = [0, 2944], sizes = [1, 128], strides = [1, 1]} : vector<1x4096xf32> to vector<1x128xf32>
    %add3A_263 = vector.broadcast %slice3A_262 : vector<1x128xf32> to vector<2048x128xf32>
    %add3A_264 = arith.addf %sub3A_261, %add3A_263 : vector<2048x128xf32>
    %lt3A_265 = arith.cmpf olt, %add3A_264, %select_n3A_255 : vector<2048x128xf32>
    %select_n3A_266 = arith.select %lt3A_265, %add3A_264, %select_n3A_255 : vector<2048x128xi1>, vector<2048x128xf32>
    %jit3A_267 = arith.constant 23 : i32
    %broadcast_in_dim3A_268 = vector.broadcast %jit3A_267 : i32 to vector<2048x128xi32>
    %select_n3A_269 = arith.select %lt3A_265, %broadcast_in_dim3A_268, %select_n3A_258 : vector<2048x128xi1>, vector<2048x128xi32>
    %slice3A_270 = vector.extract_strided_slice %dot_general3A_14 {offsets = [0, 3072], sizes = [2048, 128], strides = [1, 1]} : vector<2048x4096xf32> to vector<2048x128xf32>
    %sub3A_271 = vector.broadcast %get3A_4 : vector<2048x1xf32> to vector<2048x128xf32>
    %sub3A_272 = arith.subf %sub3A_271, %slice3A_270 : vector<2048x128xf32>
    %slice3A_273 = vector.extract_strided_slice %get3A_13 {offsets = [0, 3072], sizes = [1, 128], strides = [1, 1]} : vector<1x4096xf32> to vector<1x128xf32>
    %add3A_274 = vector.broadcast %slice3A_273 : vector<1x128xf32> to vector<2048x128xf32>
    %add3A_275 = arith.addf %sub3A_272, %add3A_274 : vector<2048x128xf32>
    %lt3A_276 = arith.cmpf olt, %add3A_275, %select_n3A_266 : vector<2048x128xf32>
    %select_n3A_277 = arith.select %lt3A_276, %add3A_275, %select_n3A_266 : vector<2048x128xi1>, vector<2048x128xf32>
    %jit3A_278 = arith.constant 24 : i32
    %broadcast_in_dim3A_279 = vector.broadcast %jit3A_278 : i32 to vector<2048x128xi32>
    %select_n3A_280 = arith.select %lt3A_276, %broadcast_in_dim3A_279, %select_n3A_269 : vector<2048x128xi1>, vector<2048x128xi32>
    %slice3A_281 = vector.extract_strided_slice %dot_general3A_14 {offsets = [0, 3200], sizes = [2048, 128], strides = [1, 1]} : vector<2048x4096xf32> to vector<2048x128xf32>
    %sub3A_282 = vector.broadcast %get3A_4 : vector<2048x1xf32> to vector<2048x128xf32>
    %sub3A_283 = arith.subf %sub3A_282, %slice3A_281 : vector<2048x128xf32>
    %slice3A_284 = vector.extract_strided_slice %get3A_13 {offsets = [0, 3200], sizes = [1, 128], strides = [1, 1]} : vector<1x4096xf32> to vector<1x128xf32>
    %add3A_285 = vector.broadcast %slice3A_284 : vector<1x128xf32> to vector<2048x128xf32>
    %add3A_286 = arith.addf %sub3A_283, %add3A_285 : vector<2048x128xf32>
    %lt3A_287 = arith.cmpf olt, %add3A_286, %select_n3A_277 : vector<2048x128xf32>
    %select_n3A_288 = arith.select %lt3A_287, %add3A_286, %select_n3A_277 : vector<2048x128xi1>, vector<2048x128xf32>
    %jit3A_289 = arith.constant 25 : i32
    %broadcast_in_dim3A_290 = vector.broadcast %jit3A_289 : i32 to vector<2048x128xi32>
    %select_n3A_291 = arith.select %lt3A_287, %broadcast_in_dim3A_290, %select_n3A_280 : vector<2048x128xi1>, vector<2048x128xi32>
    %slice3A_292 = vector.extract_strided_slice %dot_general3A_14 {offsets = [0, 3328], sizes = [2048, 128], strides = [1, 1]} : vector<2048x4096xf32> to vector<2048x128xf32>
    %sub3A_293 = vector.broadcast %get3A_4 : vector<2048x1xf32> to vector<2048x128xf32>
    %sub3A_294 = arith.subf %sub3A_293, %slice3A_292 : vector<2048x128xf32>
    %slice3A_295 = vector.extract_strided_slice %get3A_13 {offsets = [0, 3328], sizes = [1, 128], strides = [1, 1]} : vector<1x4096xf32> to vector<1x128xf32>
    %add3A_296 = vector.broadcast %slice3A_295 : vector<1x128xf32> to vector<2048x128xf32>
    %add3A_297 = arith.addf %sub3A_294, %add3A_296 : vector<2048x128xf32>
    %lt3A_298 = arith.cmpf olt, %add3A_297, %select_n3A_288 : vector<2048x128xf32>
    %select_n3A_299 = arith.select %lt3A_298, %add3A_297, %select_n3A_288 : vector<2048x128xi1>, vector<2048x128xf32>
    %jit3A_300 = arith.constant 26 : i32
    %broadcast_in_dim3A_301 = vector.broadcast %jit3A_300 : i32 to vector<2048x128xi32>
    %select_n3A_302 = arith.select %lt3A_298, %broadcast_in_dim3A_301, %select_n3A_291 : vector<2048x128xi1>, vector<2048x128xi32>
    %slice3A_303 = vector.extract_strided_slice %dot_general3A_14 {offsets = [0, 3456], sizes = [2048, 128], strides = [1, 1]} : vector<2048x4096xf32> to vector<2048x128xf32>
    %sub3A_304 = vector.broadcast %get3A_4 : vector<2048x1xf32> to vector<2048x128xf32>
    %sub3A_305 = arith.subf %sub3A_304, %slice3A_303 : vector<2048x128xf32>
    %slice3A_306 = vector.extract_strided_slice %get3A_13 {offsets = [0, 3456], sizes = [1, 128], strides = [1, 1]} : vector<1x4096xf32> to vector<1x128xf32>
    %add3A_307 = vector.broadcast %slice3A_306 : vector<1x128xf32> to vector<2048x128xf32>
    %add3A_308 = arith.addf %sub3A_305, %add3A_307 : vector<2048x128xf32>
    %lt3A_309 = arith.cmpf olt, %add3A_308, %select_n3A_299 : vector<2048x128xf32>
    %select_n3A_310 = arith.select %lt3A_309, %add3A_308, %select_n3A_299 : vector<2048x128xi1>, vector<2048x128xf32>
    %jit3A_311 = arith.constant 27 : i32
    %broadcast_in_dim3A_312 = vector.broadcast %jit3A_311 : i32 to vector<2048x128xi32>
    %select_n3A_313 = arith.select %lt3A_309, %broadcast_in_dim3A_312, %select_n3A_302 : vector<2048x128xi1>, vector<2048x128xi32>
    %slice3A_314 = vector.extract_strided_slice %dot_general3A_14 {offsets = [0, 3584], sizes = [2048, 128], strides = [1, 1]} : vector<2048x4096xf32> to vector<2048x128xf32>
    %sub3A_315 = vector.broadcast %get3A_4 : vector<2048x1xf32> to vector<2048x128xf32>
    %sub3A_316 = arith.subf %sub3A_315, %slice3A_314 : vector<2048x128xf32>
    %slice3A_317 = vector.extract_strided_slice %get3A_13 {offsets = [0, 3584], sizes = [1, 128], strides = [1, 1]} : vector<1x4096xf32> to vector<1x128xf32>
    %add3A_318 = vector.broadcast %slice3A_317 : vector<1x128xf32> to vector<2048x128xf32>
    %add3A_319 = arith.addf %sub3A_316, %add3A_318 : vector<2048x128xf32>
    %lt3A_320 = arith.cmpf olt, %add3A_319, %select_n3A_310 : vector<2048x128xf32>
    %select_n3A_321 = arith.select %lt3A_320, %add3A_319, %select_n3A_310 : vector<2048x128xi1>, vector<2048x128xf32>
    %jit3A_322 = arith.constant 28 : i32
    %broadcast_in_dim3A_323 = vector.broadcast %jit3A_322 : i32 to vector<2048x128xi32>
    %select_n3A_324 = arith.select %lt3A_320, %broadcast_in_dim3A_323, %select_n3A_313 : vector<2048x128xi1>, vector<2048x128xi32>
    %slice3A_325 = vector.extract_strided_slice %dot_general3A_14 {offsets = [0, 3712], sizes = [2048, 128], strides = [1, 1]} : vector<2048x4096xf32> to vector<2048x128xf32>
    %sub3A_326 = vector.broadcast %get3A_4 : vector<2048x1xf32> to vector<2048x128xf32>
    %sub3A_327 = arith.subf %sub3A_326, %slice3A_325 : vector<2048x128xf32>
    %slice3A_328 = vector.extract_strided_slice %get3A_13 {offsets = [0, 3712], sizes = [1, 128], strides = [1, 1]} : vector<1x4096xf32> to vector<1x128xf32>
    %add3A_329 = vector.broadcast %slice3A_328 : vector<1x128xf32> to vector<2048x128xf32>
    %add3A_330 = arith.addf %sub3A_327, %add3A_329 : vector<2048x128xf32>
    %lt3A_331 = arith.cmpf olt, %add3A_330, %select_n3A_321 : vector<2048x128xf32>
    %select_n3A_332 = arith.select %lt3A_331, %add3A_330, %select_n3A_321 : vector<2048x128xi1>, vector<2048x128xf32>
    %jit3A_333 = arith.constant 29 : i32
    %broadcast_in_dim3A_334 = vector.broadcast %jit3A_333 : i32 to vector<2048x128xi32>
    %select_n3A_335 = arith.select %lt3A_331, %broadcast_in_dim3A_334, %select_n3A_324 : vector<2048x128xi1>, vector<2048x128xi32>
    %slice3A_336 = vector.extract_strided_slice %dot_general3A_14 {offsets = [0, 3840], sizes = [2048, 128], strides = [1, 1]} : vector<2048x4096xf32> to vector<2048x128xf32>
    %sub3A_337 = vector.broadcast %get3A_4 : vector<2048x1xf32> to vector<2048x128xf32>
    %sub3A_338 = arith.subf %sub3A_337, %slice3A_336 : vector<2048x128xf32>
    %slice3A_339 = vector.extract_strided_slice %get3A_13 {offsets = [0, 3840], sizes = [1, 128], strides = [1, 1]} : vector<1x4096xf32> to vector<1x128xf32>
    %add3A_340 = vector.broadcast %slice3A_339 : vector<1x128xf32> to vector<2048x128xf32>
    %add3A_341 = arith.addf %sub3A_338, %add3A_340 : vector<2048x128xf32>
    %lt3A_342 = arith.cmpf olt, %add3A_341, %select_n3A_332 : vector<2048x128xf32>
    %select_n3A_343 = arith.select %lt3A_342, %add3A_341, %select_n3A_332 : vector<2048x128xi1>, vector<2048x128xf32>
    %jit3A_344 = arith.constant 30 : i32
    %broadcast_in_dim3A_345 = vector.broadcast %jit3A_344 : i32 to vector<2048x128xi32>
    %select_n3A_346 = arith.select %lt3A_342, %broadcast_in_dim3A_345, %select_n3A_335 : vector<2048x128xi1>, vector<2048x128xi32>
    %slice3A_347 = vector.extract_strided_slice %dot_general3A_14 {offsets = [0, 3968], sizes = [2048, 128], strides = [1, 1]} : vector<2048x4096xf32> to vector<2048x128xf32>
    %sub3A_348 = vector.broadcast %get3A_4 : vector<2048x1xf32> to vector<2048x128xf32>
    %sub3A_349 = arith.subf %sub3A_348, %slice3A_347 : vector<2048x128xf32>
    %slice3A_350 = vector.extract_strided_slice %get3A_13 {offsets = [0, 3968], sizes = [1, 128], strides = [1, 1]} : vector<1x4096xf32> to vector<1x128xf32>
    %add3A_351 = vector.broadcast %slice3A_350 : vector<1x128xf32> to vector<2048x128xf32>
    %add3A_352 = arith.addf %sub3A_349, %add3A_351 : vector<2048x128xf32>
    %lt3A_353 = arith.cmpf olt, %add3A_352, %select_n3A_343 : vector<2048x128xf32>
    %select_n3A_354 = arith.select %lt3A_353, %add3A_352, %select_n3A_343 : vector<2048x128xi1>, vector<2048x128xf32>
    %jit3A_355 = arith.constant 31 : i32
    %broadcast_in_dim3A_356 = vector.broadcast %jit3A_355 : i32 to vector<2048x128xi32>
    %select_n3A_357 = arith.select %lt3A_353, %broadcast_in_dim3A_356, %select_n3A_346 : vector<2048x128xi1>, vector<2048x128xi32>
    %reduce_min3A = arith.constant dense<0x7F800000> : vector<2048xf32>
    %reduce_min3A_358 = vector.multi_reduction <minimumf>, %select_n3A_354, %reduce_min3A [1] : vector<2048x128xf32> to vector<2048xf32>
    %broadcast_in_dim3A_359 = vector.shape_cast %reduce_min3A_358 : vector<2048xf32> to vector<2048x1xf32>
    %mul3A = arith.constant 128 : i32
    %mul3A_360 = vector.broadcast %mul3A : i32 to vector<2048x128xi32>
    %mul3A_361 = arith.muli %select_n3A_357, %mul3A_360 : vector<2048x128xi32>
    %add3A_362 = arith.addi %mul3A_361, %iota3A : vector<2048x128xi32>
    %add3A_363 = arith.constant 0 : i32
    %add3A_364 = vector.broadcast %add3A_363 : i32 to vector<2048x128xi32>
    %add3A_365 = arith.addi %add3A_362, %add3A_364 : vector<2048x128xi32>
    %eq3A = vector.broadcast %broadcast_in_dim3A_359 : vector<2048x1xf32> to vector<2048x128xf32>
    %eq3A_366 = arith.cmpf oeq, %select_n3A_354, %eq3A : vector<2048x128xf32>
    %jit3A_367 = arith.constant 8192 : i32
    %broadcast_in_dim3A_368 = vector.broadcast %jit3A_367 : i32 to vector<2048x128xi32>
    %select_n3A_369 = arith.select %eq3A_366, %add3A_365, %broadcast_in_dim3A_368 : vector<2048x128xi1>, vector<2048x128xi32>
    %reduce_min3A_370 = arith.constant dense<2147483647> : vector<2048xi32>
    %reduce_min3A_371 = vector.multi_reduction <minsi>, %select_n3A_369, %reduce_min3A_370 [1] : vector<2048x128xi32> to vector<2048xi32>
    %broadcast_in_dim3A_372 = vector.shape_cast %reduce_min3A_371 : vector<2048xi32> to vector<2048x1xi32>
    %lt3A_373 = arith.cmpf olt, %broadcast_in_dim3A_359, %broadcast_in_dim3A_5 : vector<2048x1xf32>
    %eq3A_374 = arith.cmpf oeq, %broadcast_in_dim3A_359, %broadcast_in_dim3A_5 : vector<2048x1xf32>
    %lt3A_375 = arith.cmpi slt, %broadcast_in_dim3A_372, %broadcast_in_dim3A_7 : vector<2048x1xi32>
    %and3A = arith.andi %eq3A_374, %lt3A_375 : vector<2048x1xi1>
    %or3A = arith.ori %lt3A_373, %and3A : vector<2048x1xi1>
    %select_n3A_376 = arith.select %or3A, %broadcast_in_dim3A_372, %broadcast_in_dim3A_7 : vector<2048x1xi1>, vector<2048x1xi32>
    %select_n3A_377 = arith.select %or3A, %broadcast_in_dim3A_359, %broadcast_in_dim3A_5 : vector<2048x1xi1>, vector<2048x1xf32>
    %bitcast_convert_type3A = tpu.bitcast %select_n3A_377 : vector<2048x1xf32> -> vector<2048x1xi32>
    %add3A_378 = arith.constant 32767 : i32
    %add3A_379 = vector.broadcast %add3A_378 : i32 to vector<2048x1xi32>
    %add3A_380 = arith.addi %bitcast_convert_type3A, %add3A_379 : vector<2048x1xi32>
    %shift_right_logical3A = arith.constant 16 : i32
    %shift_right_logical3A_381 = vector.broadcast %shift_right_logical3A : i32 to vector<2048x1xi32>
    %shift_right_logical3A_382 = arith.shrui %bitcast_convert_type3A, %shift_right_logical3A_381 : vector<2048x1xi32>
    %and3A_383 = arith.constant 1 : i32
    %and3A_384 = vector.broadcast %and3A_383 : i32 to vector<2048x1xi32>
    %and3A_385 = arith.andi %shift_right_logical3A_382, %and3A_384 : vector<2048x1xi32>
    %add3A_386 = arith.addi %add3A_380, %and3A_385 : vector<2048x1xi32>
    %and3A_387 = arith.constant -65536 : i32
    %and3A_388 = vector.broadcast %and3A_387 : i32 to vector<2048x1xi32>
    %and3A_389 = arith.andi %add3A_386, %and3A_388 : vector<2048x1xi32>
    %bitcast_convert_type3A_390 = tpu.bitcast %and3A_389 : vector<2048x1xi32> -> vector<2048x1xf32>
    %get3A_391 = arith.constant 4096 : index
    %get3A_392 = arith.constant 0 : index
    %get3A_393 = vector.load %arg2[%get3A_391, %get3A_392] : memref<8192x256xf32, #tpu.memory_space<vmem>>, vector<4096x256xf32>
    %get3A_394 = arith.constant 0 : index
    %get3A_395 = arith.constant 4096 : index
    %get3A_396 = vector.load %arg4[%get3A_394, %get3A_395] : memref<1x8192xf32, #tpu.memory_space<vmem>>, vector<1x4096xf32>
    %dot_general3A_397 = arith.constant dense<0.000000e+00> : vector<2048x4096xf32>
    %dot_general3A_398 = tpu.matmul %get3A_1, %get3A_393, %dot_general3A_397 {dimension_numbers = #tpu.dot_dimension_numbers<[1], [1], [0], [0], [0, 0, 1, 0], [], []>, transpose_lhs_hint = false} : vector<2048x256xbf16>, vector<4096x256xf32>, vector<2048x4096xf32> -> vector<2048x4096xf32>
    %slice3A_399 = vector.extract_strided_slice %dot_general3A_398 {offsets = [0, 0], sizes = [2048, 128], strides = [1, 1]} : vector<2048x4096xf32> to vector<2048x128xf32>
    %sub3A_400 = vector.broadcast %get3A_4 : vector<2048x1xf32> to vector<2048x128xf32>
    %sub3A_401 = arith.subf %sub3A_400, %slice3A_399 : vector<2048x128xf32>
    %slice3A_402 = vector.extract_strided_slice %get3A_396 {offsets = [0, 0], sizes = [1, 128], strides = [1, 1]} : vector<1x4096xf32> to vector<1x128xf32>
    %add3A_403 = vector.broadcast %slice3A_402 : vector<1x128xf32> to vector<2048x128xf32>
    %add3A_404 = arith.addf %sub3A_401, %add3A_403 : vector<2048x128xf32>
    %broadcast_in_dim3A_405 = arith.constant 0 : i32
    %broadcast_in_dim3A_406 = vector.broadcast %broadcast_in_dim3A_405 : i32 to vector<2048x128xi32>
    %slice3A_407 = vector.extract_strided_slice %dot_general3A_398 {offsets = [0, 128], sizes = [2048, 128], strides = [1, 1]} : vector<2048x4096xf32> to vector<2048x128xf32>
    %sub3A_408 = vector.broadcast %get3A_4 : vector<2048x1xf32> to vector<2048x128xf32>
    %sub3A_409 = arith.subf %sub3A_408, %slice3A_407 : vector<2048x128xf32>
    %slice3A_410 = vector.extract_strided_slice %get3A_396 {offsets = [0, 128], sizes = [1, 128], strides = [1, 1]} : vector<1x4096xf32> to vector<1x128xf32>
    %add3A_411 = vector.broadcast %slice3A_410 : vector<1x128xf32> to vector<2048x128xf32>
    %add3A_412 = arith.addf %sub3A_409, %add3A_411 : vector<2048x128xf32>
    %lt3A_413 = arith.cmpf olt, %add3A_412, %add3A_404 : vector<2048x128xf32>
    %select_n3A_414 = arith.select %lt3A_413, %add3A_412, %add3A_404 : vector<2048x128xi1>, vector<2048x128xf32>
    %jit3A_415 = arith.constant 1 : i32
    %broadcast_in_dim3A_416 = vector.broadcast %jit3A_415 : i32 to vector<2048x128xi32>
    %select_n3A_417 = arith.select %lt3A_413, %broadcast_in_dim3A_416, %broadcast_in_dim3A_406 : vector<2048x128xi1>, vector<2048x128xi32>
    %slice3A_418 = vector.extract_strided_slice %dot_general3A_398 {offsets = [0, 256], sizes = [2048, 128], strides = [1, 1]} : vector<2048x4096xf32> to vector<2048x128xf32>
    %sub3A_419 = vector.broadcast %get3A_4 : vector<2048x1xf32> to vector<2048x128xf32>
    %sub3A_420 = arith.subf %sub3A_419, %slice3A_418 : vector<2048x128xf32>
    %slice3A_421 = vector.extract_strided_slice %get3A_396 {offsets = [0, 256], sizes = [1, 128], strides = [1, 1]} : vector<1x4096xf32> to vector<1x128xf32>
    %add3A_422 = vector.broadcast %slice3A_421 : vector<1x128xf32> to vector<2048x128xf32>
    %add3A_423 = arith.addf %sub3A_420, %add3A_422 : vector<2048x128xf32>
    %lt3A_424 = arith.cmpf olt, %add3A_423, %select_n3A_414 : vector<2048x128xf32>
    %select_n3A_425 = arith.select %lt3A_424, %add3A_423, %select_n3A_414 : vector<2048x128xi1>, vector<2048x128xf32>
    %jit3A_426 = arith.constant 2 : i32
    %broadcast_in_dim3A_427 = vector.broadcast %jit3A_426 : i32 to vector<2048x128xi32>
    %select_n3A_428 = arith.select %lt3A_424, %broadcast_in_dim3A_427, %select_n3A_417 : vector<2048x128xi1>, vector<2048x128xi32>
    %slice3A_429 = vector.extract_strided_slice %dot_general3A_398 {offsets = [0, 384], sizes = [2048, 128], strides = [1, 1]} : vector<2048x4096xf32> to vector<2048x128xf32>
    %sub3A_430 = vector.broadcast %get3A_4 : vector<2048x1xf32> to vector<2048x128xf32>
    %sub3A_431 = arith.subf %sub3A_430, %slice3A_429 : vector<2048x128xf32>
    %slice3A_432 = vector.extract_strided_slice %get3A_396 {offsets = [0, 384], sizes = [1, 128], strides = [1, 1]} : vector<1x4096xf32> to vector<1x128xf32>
    %add3A_433 = vector.broadcast %slice3A_432 : vector<1x128xf32> to vector<2048x128xf32>
    %add3A_434 = arith.addf %sub3A_431, %add3A_433 : vector<2048x128xf32>
    %lt3A_435 = arith.cmpf olt, %add3A_434, %select_n3A_425 : vector<2048x128xf32>
    %select_n3A_436 = arith.select %lt3A_435, %add3A_434, %select_n3A_425 : vector<2048x128xi1>, vector<2048x128xf32>
    %jit3A_437 = arith.constant 3 : i32
    %broadcast_in_dim3A_438 = vector.broadcast %jit3A_437 : i32 to vector<2048x128xi32>
    %select_n3A_439 = arith.select %lt3A_435, %broadcast_in_dim3A_438, %select_n3A_428 : vector<2048x128xi1>, vector<2048x128xi32>
    %slice3A_440 = vector.extract_strided_slice %dot_general3A_398 {offsets = [0, 512], sizes = [2048, 128], strides = [1, 1]} : vector<2048x4096xf32> to vector<2048x128xf32>
    %sub3A_441 = vector.broadcast %get3A_4 : vector<2048x1xf32> to vector<2048x128xf32>
    %sub3A_442 = arith.subf %sub3A_441, %slice3A_440 : vector<2048x128xf32>
    %slice3A_443 = vector.extract_strided_slice %get3A_396 {offsets = [0, 512], sizes = [1, 128], strides = [1, 1]} : vector<1x4096xf32> to vector<1x128xf32>
    %add3A_444 = vector.broadcast %slice3A_443 : vector<1x128xf32> to vector<2048x128xf32>
    %add3A_445 = arith.addf %sub3A_442, %add3A_444 : vector<2048x128xf32>
    %lt3A_446 = arith.cmpf olt, %add3A_445, %select_n3A_436 : vector<2048x128xf32>
    %select_n3A_447 = arith.select %lt3A_446, %add3A_445, %select_n3A_436 : vector<2048x128xi1>, vector<2048x128xf32>
    %jit3A_448 = arith.constant 4 : i32
    %broadcast_in_dim3A_449 = vector.broadcast %jit3A_448 : i32 to vector<2048x128xi32>
    %select_n3A_450 = arith.select %lt3A_446, %broadcast_in_dim3A_449, %select_n3A_439 : vector<2048x128xi1>, vector<2048x128xi32>
    %slice3A_451 = vector.extract_strided_slice %dot_general3A_398 {offsets = [0, 640], sizes = [2048, 128], strides = [1, 1]} : vector<2048x4096xf32> to vector<2048x128xf32>
    %sub3A_452 = vector.broadcast %get3A_4 : vector<2048x1xf32> to vector<2048x128xf32>
    %sub3A_453 = arith.subf %sub3A_452, %slice3A_451 : vector<2048x128xf32>
    %slice3A_454 = vector.extract_strided_slice %get3A_396 {offsets = [0, 640], sizes = [1, 128], strides = [1, 1]} : vector<1x4096xf32> to vector<1x128xf32>
    %add3A_455 = vector.broadcast %slice3A_454 : vector<1x128xf32> to vector<2048x128xf32>
    %add3A_456 = arith.addf %sub3A_453, %add3A_455 : vector<2048x128xf32>
    %lt3A_457 = arith.cmpf olt, %add3A_456, %select_n3A_447 : vector<2048x128xf32>
    %select_n3A_458 = arith.select %lt3A_457, %add3A_456, %select_n3A_447 : vector<2048x128xi1>, vector<2048x128xf32>
    %jit3A_459 = arith.constant 5 : i32
    %broadcast_in_dim3A_460 = vector.broadcast %jit3A_459 : i32 to vector<2048x128xi32>
    %select_n3A_461 = arith.select %lt3A_457, %broadcast_in_dim3A_460, %select_n3A_450 : vector<2048x128xi1>, vector<2048x128xi32>
    %slice3A_462 = vector.extract_strided_slice %dot_general3A_398 {offsets = [0, 768], sizes = [2048, 128], strides = [1, 1]} : vector<2048x4096xf32> to vector<2048x128xf32>
    %sub3A_463 = vector.broadcast %get3A_4 : vector<2048x1xf32> to vector<2048x128xf32>
    %sub3A_464 = arith.subf %sub3A_463, %slice3A_462 : vector<2048x128xf32>
    %slice3A_465 = vector.extract_strided_slice %get3A_396 {offsets = [0, 768], sizes = [1, 128], strides = [1, 1]} : vector<1x4096xf32> to vector<1x128xf32>
    %add3A_466 = vector.broadcast %slice3A_465 : vector<1x128xf32> to vector<2048x128xf32>
    %add3A_467 = arith.addf %sub3A_464, %add3A_466 : vector<2048x128xf32>
    %lt3A_468 = arith.cmpf olt, %add3A_467, %select_n3A_458 : vector<2048x128xf32>
    %select_n3A_469 = arith.select %lt3A_468, %add3A_467, %select_n3A_458 : vector<2048x128xi1>, vector<2048x128xf32>
    %jit3A_470 = arith.constant 6 : i32
    %broadcast_in_dim3A_471 = vector.broadcast %jit3A_470 : i32 to vector<2048x128xi32>
    %select_n3A_472 = arith.select %lt3A_468, %broadcast_in_dim3A_471, %select_n3A_461 : vector<2048x128xi1>, vector<2048x128xi32>
    %slice3A_473 = vector.extract_strided_slice %dot_general3A_398 {offsets = [0, 896], sizes = [2048, 128], strides = [1, 1]} : vector<2048x4096xf32> to vector<2048x128xf32>
    %sub3A_474 = vector.broadcast %get3A_4 : vector<2048x1xf32> to vector<2048x128xf32>
    %sub3A_475 = arith.subf %sub3A_474, %slice3A_473 : vector<2048x128xf32>
    %slice3A_476 = vector.extract_strided_slice %get3A_396 {offsets = [0, 896], sizes = [1, 128], strides = [1, 1]} : vector<1x4096xf32> to vector<1x128xf32>
    %add3A_477 = vector.broadcast %slice3A_476 : vector<1x128xf32> to vector<2048x128xf32>
    %add3A_478 = arith.addf %sub3A_475, %add3A_477 : vector<2048x128xf32>
    %lt3A_479 = arith.cmpf olt, %add3A_478, %select_n3A_469 : vector<2048x128xf32>
    %select_n3A_480 = arith.select %lt3A_479, %add3A_478, %select_n3A_469 : vector<2048x128xi1>, vector<2048x128xf32>
    %jit3A_481 = arith.constant 7 : i32
    %broadcast_in_dim3A_482 = vector.broadcast %jit3A_481 : i32 to vector<2048x128xi32>
    %select_n3A_483 = arith.select %lt3A_479, %broadcast_in_dim3A_482, %select_n3A_472 : vector<2048x128xi1>, vector<2048x128xi32>
    %slice3A_484 = vector.extract_strided_slice %dot_general3A_398 {offsets = [0, 1024], sizes = [2048, 128], strides = [1, 1]} : vector<2048x4096xf32> to vector<2048x128xf32>
    %sub3A_485 = vector.broadcast %get3A_4 : vector<2048x1xf32> to vector<2048x128xf32>
    %sub3A_486 = arith.subf %sub3A_485, %slice3A_484 : vector<2048x128xf32>
    %slice3A_487 = vector.extract_strided_slice %get3A_396 {offsets = [0, 1024], sizes = [1, 128], strides = [1, 1]} : vector<1x4096xf32> to vector<1x128xf32>
    %add3A_488 = vector.broadcast %slice3A_487 : vector<1x128xf32> to vector<2048x128xf32>
    %add3A_489 = arith.addf %sub3A_486, %add3A_488 : vector<2048x128xf32>
    %lt3A_490 = arith.cmpf olt, %add3A_489, %select_n3A_480 : vector<2048x128xf32>
    %select_n3A_491 = arith.select %lt3A_490, %add3A_489, %select_n3A_480 : vector<2048x128xi1>, vector<2048x128xf32>
    %jit3A_492 = arith.constant 8 : i32
    %broadcast_in_dim3A_493 = vector.broadcast %jit3A_492 : i32 to vector<2048x128xi32>
    %select_n3A_494 = arith.select %lt3A_490, %broadcast_in_dim3A_493, %select_n3A_483 : vector<2048x128xi1>, vector<2048x128xi32>
    %slice3A_495 = vector.extract_strided_slice %dot_general3A_398 {offsets = [0, 1152], sizes = [2048, 128], strides = [1, 1]} : vector<2048x4096xf32> to vector<2048x128xf32>
    %sub3A_496 = vector.broadcast %get3A_4 : vector<2048x1xf32> to vector<2048x128xf32>
    %sub3A_497 = arith.subf %sub3A_496, %slice3A_495 : vector<2048x128xf32>
    %slice3A_498 = vector.extract_strided_slice %get3A_396 {offsets = [0, 1152], sizes = [1, 128], strides = [1, 1]} : vector<1x4096xf32> to vector<1x128xf32>
    %add3A_499 = vector.broadcast %slice3A_498 : vector<1x128xf32> to vector<2048x128xf32>
    %add3A_500 = arith.addf %sub3A_497, %add3A_499 : vector<2048x128xf32>
    %lt3A_501 = arith.cmpf olt, %add3A_500, %select_n3A_491 : vector<2048x128xf32>
    %select_n3A_502 = arith.select %lt3A_501, %add3A_500, %select_n3A_491 : vector<2048x128xi1>, vector<2048x128xf32>
    %jit3A_503 = arith.constant 9 : i32
    %broadcast_in_dim3A_504 = vector.broadcast %jit3A_503 : i32 to vector<2048x128xi32>
    %select_n3A_505 = arith.select %lt3A_501, %broadcast_in_dim3A_504, %select_n3A_494 : vector<2048x128xi1>, vector<2048x128xi32>
    %slice3A_506 = vector.extract_strided_slice %dot_general3A_398 {offsets = [0, 1280], sizes = [2048, 128], strides = [1, 1]} : vector<2048x4096xf32> to vector<2048x128xf32>
    %sub3A_507 = vector.broadcast %get3A_4 : vector<2048x1xf32> to vector<2048x128xf32>
    %sub3A_508 = arith.subf %sub3A_507, %slice3A_506 : vector<2048x128xf32>
    %slice3A_509 = vector.extract_strided_slice %get3A_396 {offsets = [0, 1280], sizes = [1, 128], strides = [1, 1]} : vector<1x4096xf32> to vector<1x128xf32>
    %add3A_510 = vector.broadcast %slice3A_509 : vector<1x128xf32> to vector<2048x128xf32>
    %add3A_511 = arith.addf %sub3A_508, %add3A_510 : vector<2048x128xf32>
    %lt3A_512 = arith.cmpf olt, %add3A_511, %select_n3A_502 : vector<2048x128xf32>
    %select_n3A_513 = arith.select %lt3A_512, %add3A_511, %select_n3A_502 : vector<2048x128xi1>, vector<2048x128xf32>
    %jit3A_514 = arith.constant 10 : i32
    %broadcast_in_dim3A_515 = vector.broadcast %jit3A_514 : i32 to vector<2048x128xi32>
    %select_n3A_516 = arith.select %lt3A_512, %broadcast_in_dim3A_515, %select_n3A_505 : vector<2048x128xi1>, vector<2048x128xi32>
    %slice3A_517 = vector.extract_strided_slice %dot_general3A_398 {offsets = [0, 1408], sizes = [2048, 128], strides = [1, 1]} : vector<2048x4096xf32> to vector<2048x128xf32>
    %sub3A_518 = vector.broadcast %get3A_4 : vector<2048x1xf32> to vector<2048x128xf32>
    %sub3A_519 = arith.subf %sub3A_518, %slice3A_517 : vector<2048x128xf32>
    %slice3A_520 = vector.extract_strided_slice %get3A_396 {offsets = [0, 1408], sizes = [1, 128], strides = [1, 1]} : vector<1x4096xf32> to vector<1x128xf32>
    %add3A_521 = vector.broadcast %slice3A_520 : vector<1x128xf32> to vector<2048x128xf32>
    %add3A_522 = arith.addf %sub3A_519, %add3A_521 : vector<2048x128xf32>
    %lt3A_523 = arith.cmpf olt, %add3A_522, %select_n3A_513 : vector<2048x128xf32>
    %select_n3A_524 = arith.select %lt3A_523, %add3A_522, %select_n3A_513 : vector<2048x128xi1>, vector<2048x128xf32>
    %jit3A_525 = arith.constant 11 : i32
    %broadcast_in_dim3A_526 = vector.broadcast %jit3A_525 : i32 to vector<2048x128xi32>
    %select_n3A_527 = arith.select %lt3A_523, %broadcast_in_dim3A_526, %select_n3A_516 : vector<2048x128xi1>, vector<2048x128xi32>
    %slice3A_528 = vector.extract_strided_slice %dot_general3A_398 {offsets = [0, 1536], sizes = [2048, 128], strides = [1, 1]} : vector<2048x4096xf32> to vector<2048x128xf32>
    %sub3A_529 = vector.broadcast %get3A_4 : vector<2048x1xf32> to vector<2048x128xf32>
    %sub3A_530 = arith.subf %sub3A_529, %slice3A_528 : vector<2048x128xf32>
    %slice3A_531 = vector.extract_strided_slice %get3A_396 {offsets = [0, 1536], sizes = [1, 128], strides = [1, 1]} : vector<1x4096xf32> to vector<1x128xf32>
    %add3A_532 = vector.broadcast %slice3A_531 : vector<1x128xf32> to vector<2048x128xf32>
    %add3A_533 = arith.addf %sub3A_530, %add3A_532 : vector<2048x128xf32>
    %lt3A_534 = arith.cmpf olt, %add3A_533, %select_n3A_524 : vector<2048x128xf32>
    %select_n3A_535 = arith.select %lt3A_534, %add3A_533, %select_n3A_524 : vector<2048x128xi1>, vector<2048x128xf32>
    %jit3A_536 = arith.constant 12 : i32
    %broadcast_in_dim3A_537 = vector.broadcast %jit3A_536 : i32 to vector<2048x128xi32>
    %select_n3A_538 = arith.select %lt3A_534, %broadcast_in_dim3A_537, %select_n3A_527 : vector<2048x128xi1>, vector<2048x128xi32>
    %slice3A_539 = vector.extract_strided_slice %dot_general3A_398 {offsets = [0, 1664], sizes = [2048, 128], strides = [1, 1]} : vector<2048x4096xf32> to vector<2048x128xf32>
    %sub3A_540 = vector.broadcast %get3A_4 : vector<2048x1xf32> to vector<2048x128xf32>
    %sub3A_541 = arith.subf %sub3A_540, %slice3A_539 : vector<2048x128xf32>
    %slice3A_542 = vector.extract_strided_slice %get3A_396 {offsets = [0, 1664], sizes = [1, 128], strides = [1, 1]} : vector<1x4096xf32> to vector<1x128xf32>
    %add3A_543 = vector.broadcast %slice3A_542 : vector<1x128xf32> to vector<2048x128xf32>
    %add3A_544 = arith.addf %sub3A_541, %add3A_543 : vector<2048x128xf32>
    %lt3A_545 = arith.cmpf olt, %add3A_544, %select_n3A_535 : vector<2048x128xf32>
    %select_n3A_546 = arith.select %lt3A_545, %add3A_544, %select_n3A_535 : vector<2048x128xi1>, vector<2048x128xf32>
    %jit3A_547 = arith.constant 13 : i32
    %broadcast_in_dim3A_548 = vector.broadcast %jit3A_547 : i32 to vector<2048x128xi32>
    %select_n3A_549 = arith.select %lt3A_545, %broadcast_in_dim3A_548, %select_n3A_538 : vector<2048x128xi1>, vector<2048x128xi32>
    %slice3A_550 = vector.extract_strided_slice %dot_general3A_398 {offsets = [0, 1792], sizes = [2048, 128], strides = [1, 1]} : vector<2048x4096xf32> to vector<2048x128xf32>
    %sub3A_551 = vector.broadcast %get3A_4 : vector<2048x1xf32> to vector<2048x128xf32>
    %sub3A_552 = arith.subf %sub3A_551, %slice3A_550 : vector<2048x128xf32>
    %slice3A_553 = vector.extract_strided_slice %get3A_396 {offsets = [0, 1792], sizes = [1, 128], strides = [1, 1]} : vector<1x4096xf32> to vector<1x128xf32>
    %add3A_554 = vector.broadcast %slice3A_553 : vector<1x128xf32> to vector<2048x128xf32>
    %add3A_555 = arith.addf %sub3A_552, %add3A_554 : vector<2048x128xf32>
    %lt3A_556 = arith.cmpf olt, %add3A_555, %select_n3A_546 : vector<2048x128xf32>
    %select_n3A_557 = arith.select %lt3A_556, %add3A_555, %select_n3A_546 : vector<2048x128xi1>, vector<2048x128xf32>
    %jit3A_558 = arith.constant 14 : i32
    %broadcast_in_dim3A_559 = vector.broadcast %jit3A_558 : i32 to vector<2048x128xi32>
    %select_n3A_560 = arith.select %lt3A_556, %broadcast_in_dim3A_559, %select_n3A_549 : vector<2048x128xi1>, vector<2048x128xi32>
    %slice3A_561 = vector.extract_strided_slice %dot_general3A_398 {offsets = [0, 1920], sizes = [2048, 128], strides = [1, 1]} : vector<2048x4096xf32> to vector<2048x128xf32>
    %sub3A_562 = vector.broadcast %get3A_4 : vector<2048x1xf32> to vector<2048x128xf32>
    %sub3A_563 = arith.subf %sub3A_562, %slice3A_561 : vector<2048x128xf32>
    %slice3A_564 = vector.extract_strided_slice %get3A_396 {offsets = [0, 1920], sizes = [1, 128], strides = [1, 1]} : vector<1x4096xf32> to vector<1x128xf32>
    %add3A_565 = vector.broadcast %slice3A_564 : vector<1x128xf32> to vector<2048x128xf32>
    %add3A_566 = arith.addf %sub3A_563, %add3A_565 : vector<2048x128xf32>
    %lt3A_567 = arith.cmpf olt, %add3A_566, %select_n3A_557 : vector<2048x128xf32>
    %select_n3A_568 = arith.select %lt3A_567, %add3A_566, %select_n3A_557 : vector<2048x128xi1>, vector<2048x128xf32>
    %jit3A_569 = arith.constant 15 : i32
    %broadcast_in_dim3A_570 = vector.broadcast %jit3A_569 : i32 to vector<2048x128xi32>
    %select_n3A_571 = arith.select %lt3A_567, %broadcast_in_dim3A_570, %select_n3A_560 : vector<2048x128xi1>, vector<2048x128xi32>
    %slice3A_572 = vector.extract_strided_slice %dot_general3A_398 {offsets = [0, 2048], sizes = [2048, 128], strides = [1, 1]} : vector<2048x4096xf32> to vector<2048x128xf32>
    %sub3A_573 = vector.broadcast %get3A_4 : vector<2048x1xf32> to vector<2048x128xf32>
    %sub3A_574 = arith.subf %sub3A_573, %slice3A_572 : vector<2048x128xf32>
    %slice3A_575 = vector.extract_strided_slice %get3A_396 {offsets = [0, 2048], sizes = [1, 128], strides = [1, 1]} : vector<1x4096xf32> to vector<1x128xf32>
    %add3A_576 = vector.broadcast %slice3A_575 : vector<1x128xf32> to vector<2048x128xf32>
    %add3A_577 = arith.addf %sub3A_574, %add3A_576 : vector<2048x128xf32>
    %lt3A_578 = arith.cmpf olt, %add3A_577, %select_n3A_568 : vector<2048x128xf32>
    %select_n3A_579 = arith.select %lt3A_578, %add3A_577, %select_n3A_568 : vector<2048x128xi1>, vector<2048x128xf32>
    %jit3A_580 = arith.constant 16 : i32
    %broadcast_in_dim3A_581 = vector.broadcast %jit3A_580 : i32 to vector<2048x128xi32>
    %select_n3A_582 = arith.select %lt3A_578, %broadcast_in_dim3A_581, %select_n3A_571 : vector<2048x128xi1>, vector<2048x128xi32>
    %slice3A_583 = vector.extract_strided_slice %dot_general3A_398 {offsets = [0, 2176], sizes = [2048, 128], strides = [1, 1]} : vector<2048x4096xf32> to vector<2048x128xf32>
    %sub3A_584 = vector.broadcast %get3A_4 : vector<2048x1xf32> to vector<2048x128xf32>
    %sub3A_585 = arith.subf %sub3A_584, %slice3A_583 : vector<2048x128xf32>
    %slice3A_586 = vector.extract_strided_slice %get3A_396 {offsets = [0, 2176], sizes = [1, 128], strides = [1, 1]} : vector<1x4096xf32> to vector<1x128xf32>
    %add3A_587 = vector.broadcast %slice3A_586 : vector<1x128xf32> to vector<2048x128xf32>
    %add3A_588 = arith.addf %sub3A_585, %add3A_587 : vector<2048x128xf32>
    %lt3A_589 = arith.cmpf olt, %add3A_588, %select_n3A_579 : vector<2048x128xf32>
    %select_n3A_590 = arith.select %lt3A_589, %add3A_588, %select_n3A_579 : vector<2048x128xi1>, vector<2048x128xf32>
    %jit3A_591 = arith.constant 17 : i32
    %broadcast_in_dim3A_592 = vector.broadcast %jit3A_591 : i32 to vector<2048x128xi32>
    %select_n3A_593 = arith.select %lt3A_589, %broadcast_in_dim3A_592, %select_n3A_582 : vector<2048x128xi1>, vector<2048x128xi32>
    %slice3A_594 = vector.extract_strided_slice %dot_general3A_398 {offsets = [0, 2304], sizes = [2048, 128], strides = [1, 1]} : vector<2048x4096xf32> to vector<2048x128xf32>
    %sub3A_595 = vector.broadcast %get3A_4 : vector<2048x1xf32> to vector<2048x128xf32>
    %sub3A_596 = arith.subf %sub3A_595, %slice3A_594 : vector<2048x128xf32>
    %slice3A_597 = vector.extract_strided_slice %get3A_396 {offsets = [0, 2304], sizes = [1, 128], strides = [1, 1]} : vector<1x4096xf32> to vector<1x128xf32>
    %add3A_598 = vector.broadcast %slice3A_597 : vector<1x128xf32> to vector<2048x128xf32>
    %add3A_599 = arith.addf %sub3A_596, %add3A_598 : vector<2048x128xf32>
    %lt3A_600 = arith.cmpf olt, %add3A_599, %select_n3A_590 : vector<2048x128xf32>
    %select_n3A_601 = arith.select %lt3A_600, %add3A_599, %select_n3A_590 : vector<2048x128xi1>, vector<2048x128xf32>
    %jit3A_602 = arith.constant 18 : i32
    %broadcast_in_dim3A_603 = vector.broadcast %jit3A_602 : i32 to vector<2048x128xi32>
    %select_n3A_604 = arith.select %lt3A_600, %broadcast_in_dim3A_603, %select_n3A_593 : vector<2048x128xi1>, vector<2048x128xi32>
    %slice3A_605 = vector.extract_strided_slice %dot_general3A_398 {offsets = [0, 2432], sizes = [2048, 128], strides = [1, 1]} : vector<2048x4096xf32> to vector<2048x128xf32>
    %sub3A_606 = vector.broadcast %get3A_4 : vector<2048x1xf32> to vector<2048x128xf32>
    %sub3A_607 = arith.subf %sub3A_606, %slice3A_605 : vector<2048x128xf32>
    %slice3A_608 = vector.extract_strided_slice %get3A_396 {offsets = [0, 2432], sizes = [1, 128], strides = [1, 1]} : vector<1x4096xf32> to vector<1x128xf32>
    %add3A_609 = vector.broadcast %slice3A_608 : vector<1x128xf32> to vector<2048x128xf32>
    %add3A_610 = arith.addf %sub3A_607, %add3A_609 : vector<2048x128xf32>
    %lt3A_611 = arith.cmpf olt, %add3A_610, %select_n3A_601 : vector<2048x128xf32>
    %select_n3A_612 = arith.select %lt3A_611, %add3A_610, %select_n3A_601 : vector<2048x128xi1>, vector<2048x128xf32>
    %jit3A_613 = arith.constant 19 : i32
    %broadcast_in_dim3A_614 = vector.broadcast %jit3A_613 : i32 to vector<2048x128xi32>
    %select_n3A_615 = arith.select %lt3A_611, %broadcast_in_dim3A_614, %select_n3A_604 : vector<2048x128xi1>, vector<2048x128xi32>
    %slice3A_616 = vector.extract_strided_slice %dot_general3A_398 {offsets = [0, 2560], sizes = [2048, 128], strides = [1, 1]} : vector<2048x4096xf32> to vector<2048x128xf32>
    %sub3A_617 = vector.broadcast %get3A_4 : vector<2048x1xf32> to vector<2048x128xf32>
    %sub3A_618 = arith.subf %sub3A_617, %slice3A_616 : vector<2048x128xf32>
    %slice3A_619 = vector.extract_strided_slice %get3A_396 {offsets = [0, 2560], sizes = [1, 128], strides = [1, 1]} : vector<1x4096xf32> to vector<1x128xf32>
    %add3A_620 = vector.broadcast %slice3A_619 : vector<1x128xf32> to vector<2048x128xf32>
    %add3A_621 = arith.addf %sub3A_618, %add3A_620 : vector<2048x128xf32>
    %lt3A_622 = arith.cmpf olt, %add3A_621, %select_n3A_612 : vector<2048x128xf32>
    %select_n3A_623 = arith.select %lt3A_622, %add3A_621, %select_n3A_612 : vector<2048x128xi1>, vector<2048x128xf32>
    %jit3A_624 = arith.constant 20 : i32
    %broadcast_in_dim3A_625 = vector.broadcast %jit3A_624 : i32 to vector<2048x128xi32>
    %select_n3A_626 = arith.select %lt3A_622, %broadcast_in_dim3A_625, %select_n3A_615 : vector<2048x128xi1>, vector<2048x128xi32>
    %slice3A_627 = vector.extract_strided_slice %dot_general3A_398 {offsets = [0, 2688], sizes = [2048, 128], strides = [1, 1]} : vector<2048x4096xf32> to vector<2048x128xf32>
    %sub3A_628 = vector.broadcast %get3A_4 : vector<2048x1xf32> to vector<2048x128xf32>
    %sub3A_629 = arith.subf %sub3A_628, %slice3A_627 : vector<2048x128xf32>
    %slice3A_630 = vector.extract_strided_slice %get3A_396 {offsets = [0, 2688], sizes = [1, 128], strides = [1, 1]} : vector<1x4096xf32> to vector<1x128xf32>
    %add3A_631 = vector.broadcast %slice3A_630 : vector<1x128xf32> to vector<2048x128xf32>
    %add3A_632 = arith.addf %sub3A_629, %add3A_631 : vector<2048x128xf32>
    %lt3A_633 = arith.cmpf olt, %add3A_632, %select_n3A_623 : vector<2048x128xf32>
    %select_n3A_634 = arith.select %lt3A_633, %add3A_632, %select_n3A_623 : vector<2048x128xi1>, vector<2048x128xf32>
    %jit3A_635 = arith.constant 21 : i32
    %broadcast_in_dim3A_636 = vector.broadcast %jit3A_635 : i32 to vector<2048x128xi32>
    %select_n3A_637 = arith.select %lt3A_633, %broadcast_in_dim3A_636, %select_n3A_626 : vector<2048x128xi1>, vector<2048x128xi32>
    %slice3A_638 = vector.extract_strided_slice %dot_general3A_398 {offsets = [0, 2816], sizes = [2048, 128], strides = [1, 1]} : vector<2048x4096xf32> to vector<2048x128xf32>
    %sub3A_639 = vector.broadcast %get3A_4 : vector<2048x1xf32> to vector<2048x128xf32>
    %sub3A_640 = arith.subf %sub3A_639, %slice3A_638 : vector<2048x128xf32>
    %slice3A_641 = vector.extract_strided_slice %get3A_396 {offsets = [0, 2816], sizes = [1, 128], strides = [1, 1]} : vector<1x4096xf32> to vector<1x128xf32>
    %add3A_642 = vector.broadcast %slice3A_641 : vector<1x128xf32> to vector<2048x128xf32>
    %add3A_643 = arith.addf %sub3A_640, %add3A_642 : vector<2048x128xf32>
    %lt3A_644 = arith.cmpf olt, %add3A_643, %select_n3A_634 : vector<2048x128xf32>
    %select_n3A_645 = arith.select %lt3A_644, %add3A_643, %select_n3A_634 : vector<2048x128xi1>, vector<2048x128xf32>
    %jit3A_646 = arith.constant 22 : i32
    %broadcast_in_dim3A_647 = vector.broadcast %jit3A_646 : i32 to vector<2048x128xi32>
    %select_n3A_648 = arith.select %lt3A_644, %broadcast_in_dim3A_647, %select_n3A_637 : vector<2048x128xi1>, vector<2048x128xi32>
    %slice3A_649 = vector.extract_strided_slice %dot_general3A_398 {offsets = [0, 2944], sizes = [2048, 128], strides = [1, 1]} : vector<2048x4096xf32> to vector<2048x128xf32>
    %sub3A_650 = vector.broadcast %get3A_4 : vector<2048x1xf32> to vector<2048x128xf32>
    %sub3A_651 = arith.subf %sub3A_650, %slice3A_649 : vector<2048x128xf32>
    %slice3A_652 = vector.extract_strided_slice %get3A_396 {offsets = [0, 2944], sizes = [1, 128], strides = [1, 1]} : vector<1x4096xf32> to vector<1x128xf32>
    %add3A_653 = vector.broadcast %slice3A_652 : vector<1x128xf32> to vector<2048x128xf32>
    %add3A_654 = arith.addf %sub3A_651, %add3A_653 : vector<2048x128xf32>
    %lt3A_655 = arith.cmpf olt, %add3A_654, %select_n3A_645 : vector<2048x128xf32>
    %select_n3A_656 = arith.select %lt3A_655, %add3A_654, %select_n3A_645 : vector<2048x128xi1>, vector<2048x128xf32>
    %jit3A_657 = arith.constant 23 : i32
    %broadcast_in_dim3A_658 = vector.broadcast %jit3A_657 : i32 to vector<2048x128xi32>
    %select_n3A_659 = arith.select %lt3A_655, %broadcast_in_dim3A_658, %select_n3A_648 : vector<2048x128xi1>, vector<2048x128xi32>
    %slice3A_660 = vector.extract_strided_slice %dot_general3A_398 {offsets = [0, 3072], sizes = [2048, 128], strides = [1, 1]} : vector<2048x4096xf32> to vector<2048x128xf32>
    %sub3A_661 = vector.broadcast %get3A_4 : vector<2048x1xf32> to vector<2048x128xf32>
    %sub3A_662 = arith.subf %sub3A_661, %slice3A_660 : vector<2048x128xf32>
    %slice3A_663 = vector.extract_strided_slice %get3A_396 {offsets = [0, 3072], sizes = [1, 128], strides = [1, 1]} : vector<1x4096xf32> to vector<1x128xf32>
    %add3A_664 = vector.broadcast %slice3A_663 : vector<1x128xf32> to vector<2048x128xf32>
    %add3A_665 = arith.addf %sub3A_662, %add3A_664 : vector<2048x128xf32>
    %lt3A_666 = arith.cmpf olt, %add3A_665, %select_n3A_656 : vector<2048x128xf32>
    %select_n3A_667 = arith.select %lt3A_666, %add3A_665, %select_n3A_656 : vector<2048x128xi1>, vector<2048x128xf32>
    %jit3A_668 = arith.constant 24 : i32
    %broadcast_in_dim3A_669 = vector.broadcast %jit3A_668 : i32 to vector<2048x128xi32>
    %select_n3A_670 = arith.select %lt3A_666, %broadcast_in_dim3A_669, %select_n3A_659 : vector<2048x128xi1>, vector<2048x128xi32>
    %slice3A_671 = vector.extract_strided_slice %dot_general3A_398 {offsets = [0, 3200], sizes = [2048, 128], strides = [1, 1]} : vector<2048x4096xf32> to vector<2048x128xf32>
    %sub3A_672 = vector.broadcast %get3A_4 : vector<2048x1xf32> to vector<2048x128xf32>
    %sub3A_673 = arith.subf %sub3A_672, %slice3A_671 : vector<2048x128xf32>
    %slice3A_674 = vector.extract_strided_slice %get3A_396 {offsets = [0, 3200], sizes = [1, 128], strides = [1, 1]} : vector<1x4096xf32> to vector<1x128xf32>
    %add3A_675 = vector.broadcast %slice3A_674 : vector<1x128xf32> to vector<2048x128xf32>
    %add3A_676 = arith.addf %sub3A_673, %add3A_675 : vector<2048x128xf32>
    %lt3A_677 = arith.cmpf olt, %add3A_676, %select_n3A_667 : vector<2048x128xf32>
    %select_n3A_678 = arith.select %lt3A_677, %add3A_676, %select_n3A_667 : vector<2048x128xi1>, vector<2048x128xf32>
    %jit3A_679 = arith.constant 25 : i32
    %broadcast_in_dim3A_680 = vector.broadcast %jit3A_679 : i32 to vector<2048x128xi32>
    %select_n3A_681 = arith.select %lt3A_677, %broadcast_in_dim3A_680, %select_n3A_670 : vector<2048x128xi1>, vector<2048x128xi32>
    %slice3A_682 = vector.extract_strided_slice %dot_general3A_398 {offsets = [0, 3328], sizes = [2048, 128], strides = [1, 1]} : vector<2048x4096xf32> to vector<2048x128xf32>
    %sub3A_683 = vector.broadcast %get3A_4 : vector<2048x1xf32> to vector<2048x128xf32>
    %sub3A_684 = arith.subf %sub3A_683, %slice3A_682 : vector<2048x128xf32>
    %slice3A_685 = vector.extract_strided_slice %get3A_396 {offsets = [0, 3328], sizes = [1, 128], strides = [1, 1]} : vector<1x4096xf32> to vector<1x128xf32>
    %add3A_686 = vector.broadcast %slice3A_685 : vector<1x128xf32> to vector<2048x128xf32>
    %add3A_687 = arith.addf %sub3A_684, %add3A_686 : vector<2048x128xf32>
    %lt3A_688 = arith.cmpf olt, %add3A_687, %select_n3A_678 : vector<2048x128xf32>
    %select_n3A_689 = arith.select %lt3A_688, %add3A_687, %select_n3A_678 : vector<2048x128xi1>, vector<2048x128xf32>
    %jit3A_690 = arith.constant 26 : i32
    %broadcast_in_dim3A_691 = vector.broadcast %jit3A_690 : i32 to vector<2048x128xi32>
    %select_n3A_692 = arith.select %lt3A_688, %broadcast_in_dim3A_691, %select_n3A_681 : vector<2048x128xi1>, vector<2048x128xi32>
    %slice3A_693 = vector.extract_strided_slice %dot_general3A_398 {offsets = [0, 3456], sizes = [2048, 128], strides = [1, 1]} : vector<2048x4096xf32> to vector<2048x128xf32>
    %sub3A_694 = vector.broadcast %get3A_4 : vector<2048x1xf32> to vector<2048x128xf32>
    %sub3A_695 = arith.subf %sub3A_694, %slice3A_693 : vector<2048x128xf32>
    %slice3A_696 = vector.extract_strided_slice %get3A_396 {offsets = [0, 3456], sizes = [1, 128], strides = [1, 1]} : vector<1x4096xf32> to vector<1x128xf32>
    %add3A_697 = vector.broadcast %slice3A_696 : vector<1x128xf32> to vector<2048x128xf32>
    %add3A_698 = arith.addf %sub3A_695, %add3A_697 : vector<2048x128xf32>
    %lt3A_699 = arith.cmpf olt, %add3A_698, %select_n3A_689 : vector<2048x128xf32>
    %select_n3A_700 = arith.select %lt3A_699, %add3A_698, %select_n3A_689 : vector<2048x128xi1>, vector<2048x128xf32>
    %jit3A_701 = arith.constant 27 : i32
    %broadcast_in_dim3A_702 = vector.broadcast %jit3A_701 : i32 to vector<2048x128xi32>
    %select_n3A_703 = arith.select %lt3A_699, %broadcast_in_dim3A_702, %select_n3A_692 : vector<2048x128xi1>, vector<2048x128xi32>
    %slice3A_704 = vector.extract_strided_slice %dot_general3A_398 {offsets = [0, 3584], sizes = [2048, 128], strides = [1, 1]} : vector<2048x4096xf32> to vector<2048x128xf32>
    %sub3A_705 = vector.broadcast %get3A_4 : vector<2048x1xf32> to vector<2048x128xf32>
    %sub3A_706 = arith.subf %sub3A_705, %slice3A_704 : vector<2048x128xf32>
    %slice3A_707 = vector.extract_strided_slice %get3A_396 {offsets = [0, 3584], sizes = [1, 128], strides = [1, 1]} : vector<1x4096xf32> to vector<1x128xf32>
    %add3A_708 = vector.broadcast %slice3A_707 : vector<1x128xf32> to vector<2048x128xf32>
    %add3A_709 = arith.addf %sub3A_706, %add3A_708 : vector<2048x128xf32>
    %lt3A_710 = arith.cmpf olt, %add3A_709, %select_n3A_700 : vector<2048x128xf32>
    %select_n3A_711 = arith.select %lt3A_710, %add3A_709, %select_n3A_700 : vector<2048x128xi1>, vector<2048x128xf32>
    %jit3A_712 = arith.constant 28 : i32
    %broadcast_in_dim3A_713 = vector.broadcast %jit3A_712 : i32 to vector<2048x128xi32>
    %select_n3A_714 = arith.select %lt3A_710, %broadcast_in_dim3A_713, %select_n3A_703 : vector<2048x128xi1>, vector<2048x128xi32>
    %slice3A_715 = vector.extract_strided_slice %dot_general3A_398 {offsets = [0, 3712], sizes = [2048, 128], strides = [1, 1]} : vector<2048x4096xf32> to vector<2048x128xf32>
    %sub3A_716 = vector.broadcast %get3A_4 : vector<2048x1xf32> to vector<2048x128xf32>
    %sub3A_717 = arith.subf %sub3A_716, %slice3A_715 : vector<2048x128xf32>
    %slice3A_718 = vector.extract_strided_slice %get3A_396 {offsets = [0, 3712], sizes = [1, 128], strides = [1, 1]} : vector<1x4096xf32> to vector<1x128xf32>
    %add3A_719 = vector.broadcast %slice3A_718 : vector<1x128xf32> to vector<2048x128xf32>
    %add3A_720 = arith.addf %sub3A_717, %add3A_719 : vector<2048x128xf32>
    %lt3A_721 = arith.cmpf olt, %add3A_720, %select_n3A_711 : vector<2048x128xf32>
    %select_n3A_722 = arith.select %lt3A_721, %add3A_720, %select_n3A_711 : vector<2048x128xi1>, vector<2048x128xf32>
    %jit3A_723 = arith.constant 29 : i32
    %broadcast_in_dim3A_724 = vector.broadcast %jit3A_723 : i32 to vector<2048x128xi32>
    %select_n3A_725 = arith.select %lt3A_721, %broadcast_in_dim3A_724, %select_n3A_714 : vector<2048x128xi1>, vector<2048x128xi32>
    %slice3A_726 = vector.extract_strided_slice %dot_general3A_398 {offsets = [0, 3840], sizes = [2048, 128], strides = [1, 1]} : vector<2048x4096xf32> to vector<2048x128xf32>
    %sub3A_727 = vector.broadcast %get3A_4 : vector<2048x1xf32> to vector<2048x128xf32>
    %sub3A_728 = arith.subf %sub3A_727, %slice3A_726 : vector<2048x128xf32>
    %slice3A_729 = vector.extract_strided_slice %get3A_396 {offsets = [0, 3840], sizes = [1, 128], strides = [1, 1]} : vector<1x4096xf32> to vector<1x128xf32>
    %add3A_730 = vector.broadcast %slice3A_729 : vector<1x128xf32> to vector<2048x128xf32>
    %add3A_731 = arith.addf %sub3A_728, %add3A_730 : vector<2048x128xf32>
    %lt3A_732 = arith.cmpf olt, %add3A_731, %select_n3A_722 : vector<2048x128xf32>
    %select_n3A_733 = arith.select %lt3A_732, %add3A_731, %select_n3A_722 : vector<2048x128xi1>, vector<2048x128xf32>
    %jit3A_734 = arith.constant 30 : i32
    %broadcast_in_dim3A_735 = vector.broadcast %jit3A_734 : i32 to vector<2048x128xi32>
    %select_n3A_736 = arith.select %lt3A_732, %broadcast_in_dim3A_735, %select_n3A_725 : vector<2048x128xi1>, vector<2048x128xi32>
    %slice3A_737 = vector.extract_strided_slice %dot_general3A_398 {offsets = [0, 3968], sizes = [2048, 128], strides = [1, 1]} : vector<2048x4096xf32> to vector<2048x128xf32>
    %sub3A_738 = vector.broadcast %get3A_4 : vector<2048x1xf32> to vector<2048x128xf32>
    %sub3A_739 = arith.subf %sub3A_738, %slice3A_737 : vector<2048x128xf32>
    %slice3A_740 = vector.extract_strided_slice %get3A_396 {offsets = [0, 3968], sizes = [1, 128], strides = [1, 1]} : vector<1x4096xf32> to vector<1x128xf32>
    %add3A_741 = vector.broadcast %slice3A_740 : vector<1x128xf32> to vector<2048x128xf32>
    %add3A_742 = arith.addf %sub3A_739, %add3A_741 : vector<2048x128xf32>
    %lt3A_743 = arith.cmpf olt, %add3A_742, %select_n3A_733 : vector<2048x128xf32>
    %select_n3A_744 = arith.select %lt3A_743, %add3A_742, %select_n3A_733 : vector<2048x128xi1>, vector<2048x128xf32>
    %jit3A_745 = arith.constant 31 : i32
    %broadcast_in_dim3A_746 = vector.broadcast %jit3A_745 : i32 to vector<2048x128xi32>
    %select_n3A_747 = arith.select %lt3A_743, %broadcast_in_dim3A_746, %select_n3A_736 : vector<2048x128xi1>, vector<2048x128xi32>
    %reduce_min3A_748 = arith.constant dense<0x7F800000> : vector<2048xf32>
    %reduce_min3A_749 = vector.multi_reduction <minimumf>, %select_n3A_744, %reduce_min3A_748 [1] : vector<2048x128xf32> to vector<2048xf32>
    %broadcast_in_dim3A_750 = vector.shape_cast %reduce_min3A_749 : vector<2048xf32> to vector<2048x1xf32>
    %mul3A_751 = arith.constant 128 : i32
    %mul3A_752 = vector.broadcast %mul3A_751 : i32 to vector<2048x128xi32>
    %mul3A_753 = arith.muli %select_n3A_747, %mul3A_752 : vector<2048x128xi32>
    %add3A_754 = arith.addi %mul3A_753, %iota3A : vector<2048x128xi32>
    %add3A_755 = arith.constant 4096 : i32
    %add3A_756 = vector.broadcast %add3A_755 : i32 to vector<2048x128xi32>
    %add3A_757 = arith.addi %add3A_754, %add3A_756 : vector<2048x128xi32>
    %eq3A_758 = vector.broadcast %broadcast_in_dim3A_750 : vector<2048x1xf32> to vector<2048x128xf32>
    %eq3A_759 = arith.cmpf oeq, %select_n3A_744, %eq3A_758 : vector<2048x128xf32>
    %jit3A_760 = arith.constant 8192 : i32
    %broadcast_in_dim3A_761 = vector.broadcast %jit3A_760 : i32 to vector<2048x128xi32>
    %select_n3A_762 = arith.select %eq3A_759, %add3A_757, %broadcast_in_dim3A_761 : vector<2048x128xi1>, vector<2048x128xi32>
    %reduce_min3A_763 = arith.constant dense<2147483647> : vector<2048xi32>
    %reduce_min3A_764 = vector.multi_reduction <minsi>, %select_n3A_762, %reduce_min3A_763 [1] : vector<2048x128xi32> to vector<2048xi32>
    %broadcast_in_dim3A_765 = vector.shape_cast %reduce_min3A_764 : vector<2048xi32> to vector<2048x1xi32>
    %lt3A_766 = arith.cmpf olt, %broadcast_in_dim3A_750, %bitcast_convert_type3A_390 : vector<2048x1xf32>
    %eq3A_767 = arith.cmpf oeq, %broadcast_in_dim3A_750, %bitcast_convert_type3A_390 : vector<2048x1xf32>
    %lt3A_768 = arith.cmpi slt, %broadcast_in_dim3A_765, %select_n3A_376 : vector<2048x1xi32>
    %and3A_769 = arith.andi %eq3A_767, %lt3A_768 : vector<2048x1xi1>
    %or3A_770 = arith.ori %lt3A_766, %and3A_769 : vector<2048x1xi1>
    %select_n3A_771 = arith.select %or3A_770, %broadcast_in_dim3A_765, %select_n3A_376 : vector<2048x1xi1>, vector<2048x1xi32>
    %swap3A = arith.constant 0 : index
    %swap3A_772 = arith.constant 0 : index
    %swap3A_773 = vector.load %arg5[%swap3A, %swap3A_772] : memref<2048x1xi32, #tpu.memory_space<vmem>>, vector<2048x1xi32>
    tpu.vector_store %arg5[%swap3A, %swap3A_772], %select_n3A_771 {strides = array<i32>} : memref<2048x1xi32, #tpu.memory_space<vmem>>, vector<2048x1xi32>,
    return
  }
  func.func @transform_0(%arg0: i32) -> (i32, i32) {
    %c0_i32 = arith.constant 0 : i32
    %c0_i32_0 = arith.constant 0 : i32
    return %arg0, %c0_i32 : i32, i32
  }
  func.func @transform_1(%arg0: i32) -> (i32, i32) {
    %c0_i32 = arith.constant 0 : i32
    %c0_i32_0 = arith.constant 0 : i32
    %c0_i32_1 = arith.constant 0 : i32
    return %c0_i32, %c0_i32_0 : i32, i32
  }
  func.func @transform_2(%arg0: i32) -> (i32, i32) {
    %c0_i32 = arith.constant 0 : i32
    %c0_i32_0 = arith.constant 0 : i32
    return %arg0, %c0_i32 : i32, i32
  }
  func.func @transform_3(%arg0: i32) -> (i32, i32) {
    %c0_i32 = arith.constant 0 : i32
    %c0_i32_0 = arith.constant 0 : i32
    %c0_i32_1 = arith.constant 0 : i32
    return %c0_i32, %c0_i32_0 : i32, i32
  }
  func.func @transform_4(%arg0: i32) -> (i32, i32) {
    %c0_i32 = arith.constant 0 : i32
    %c0_i32_0 = arith.constant 0 : i32
    return %arg0, %c0_i32 : i32, i32
  }
}

</mosaic_0001>

<sc_bundles>
// kernel: kernel.4.cloned.1.call-start
scs
__scs_entry_jumppad:
0x0: {  	(pc) =	sbr.rel $0x88, $3  }
0x1: {  	(tag) =	ssettag $0x0;
	lr =	simm.s32 $0x1  }
0x2: {  	[smem:$0x3F9F] =	sst lr;
	_ =	strace $0xD0000000  }
0x3: {  	_ = 	snop  }
0x4: {  	_ = 	snop  }
0x5: {  	_ = 	snop  }
0x6: {  	_ = 	snop  }
0x7: {  	_ = 	snop  }
__scs_overlays_trampoline_lowered:
0x8: {  	[smem:$0x3FAE] =	sst s0  }
0x9: {  	[smem:$0x3FAF] =	sst s1  }
0xa: {  	[smem:$0x3FB0] =	sst s2  }
0xb: {  	[smem:$0x3FB1] =	sst s3  }
0xc: {  	[smem:$0x3FB2] =	sst s4  }
0xd: {  	[smem:$0x3FB3] =	sst s5  }
0xe: {  	[smem:$0x3FB4] =	sst s6  }
0xf: {  	[smem:$0x3FB5] =	sst s7  }
0x10: {  	[smem:$0x3FB6] =	sst s8  }
0x11: {  	[smem:$0x3FB7] =	sst s9;
	s0 =	simm.s32 @!p0 $0x0  }
0x12: {  	s1 =	sld [smem:$0x3F9D];
	s0 =	simm.s32 @p0 $0x1  }
0x13: {  	[smem:$0x3FB8] =	sst s0;
	s0 =	simm.s32 @!p1 $0x0  }
0x14: {  	s2 =	sld [smem:$0x3F9C];
	s0 =	simm.s32 @p1 $0x1  }
0x15: {  	[smem:$0x3FB9] =	sst s0;
	s0 =	simm.s32 @!p2 $0x0  }
0x16: {  	s3 =	sld [smem:$0x3FDB];
	s0 =	simm.s32 @p2 $0x1  }
0x17: {  	s4 =	simm.s32 $0x1BF5;
	[smem:$0x3FBB] =	sst s0  }
0x18: {  	s0 =	sld [smem:$0x3F9E];
	_ =	swait.ge [sflag:s4], $0x0  }
0x19: {  	s7 =	sld [smem:$0x3F9F]  }
0x1a: {  	s8 =	sadd.s32 $0xFFFFE003, lr  }
0x1b: {  	s9 =	sadd.s32 $0xFFFFFEF7, lr;
	s5 =	simm.s32 $0xFFFFFFFF;
	p2 =	slt.u32 s8, $0xFFFFF086  }
0x1c: {  	p1 =	slt.u32 s9, $0xF7A;
	s5 =	simm.s32 @!p2 $0x0  }
0x1d: {  	s5 =	simm.s32 @p1 $0x1;
	p0 =	seq.s32 s7, s2  }
0x1e: {  	s7 =	smul.u32 @!p0 $0xF7A, s2;
	p2 =	seq.s32 @!p0 s5, $0x0  }
0x1f: {  	s9 =	smul.u32 $0xF7A, s1;
	s8 =	simm.s32 @!p0 $0x1BF5;
	p2 =	por !p2, p0  }
0x20: {  	[sflag:s8] =	ssyncset.s32 @!p0 $0xFFFFF086;
	s6 =	sadd.s32 @!p0 s3, s7;
	s7 =	simm.s32 @!p0 $0x108  }
0x21: {  	s3 =	sadd.s32 s3, s9;
	s6 =	sadd.s32 @!p0 $0x88, s6;
	s7 =	simm.s32 @p2 $0x1082  }
0x22: {  	[simem:s7], [sflag:s8] =	dma.local @!p0 [hbm:s6], $0xF7A  }
0x23: {  	s9 =	sor.u32 $0xD0000000, s2;
	s6 =	simm.s32 $0x108;
	_ =	swait.ge @!p0 [sflag:s8], $0x0  }
0x24: {  	s3 =	sadd.s32 $0x88, s3;
	s6 =	simm.s32 @!p1 $0x1082;
	[sflag:s4] =	ssyncset.s32 $0xFFFFF086  }
0x25: {  	[simem:s6], [sflag:s4] =	dma.local [hbm:s3], $0xF7A  }
0x26: {  	[smem:$0x3F9F] =	sst s1;
	(tag) =	ssettag s2;
	_ =	strace s9  }
0x27: {  	s1 =	sld [smem:$0x3FAF]  }
0x28: {  	s2 =	sld [smem:$0x3FB0]  }
0x29: {  	s4 =	sld [smem:$0x3FB2]  }
0x2a: {  	p0 =	seq.s32 s5, $0x0;
	s5 =	sld [smem:$0x3FB3]  }
0x2b: {  	s6 =	sld [smem:$0x3FB4]  }
0x2c: {  	s7 =	sld [smem:$0x3FB5]  }
0x2d: {  	s3 =	simm.s32 $0x108;
	s8 =	sld [smem:$0x3FB6]  }
0x2e: {  	s3 =	simm.s32 @!p0 $0x1082;
	s9 =	sld [smem:$0x3FB7]  }
0x2f: {  	lr =	sadd.s32 s0, s3;
	s0 =	sld [smem:$0x3FAE]  }
0x30: {  	s3 =	sld [smem:$0x3FB1]  }
0x31: {  	[smem:$0x3FBA] =	sst s10  }
0x32: {  	s10 =	sld [smem:$0x3FB8];
	_ =	sdelay $0x3  }
0x33: {  	p0 =	seq.s32 s10, $0x1;
	s10 =	sld [smem:$0x3FBA];
	_ =	sdelay $0x3  }
0x34: {  	[smem:$0x3FBA] =	sst s10  }
0x35: {  	s10 =	sld [smem:$0x3FB9];
	_ =	sdelay $0x3  }
0x36: {  	p1 =	seq.s32 s10, $0x1;
	s10 =	sld [smem:$0x3FBA];
	_ =	sdelay $0x3  }
0x37: {  	[smem:$0x3FBA] =	sst s10  }
0x38: {  	s10 =	sld [smem:$0x3FBB]  }
0x39: {  	_ = 	snop;
	(pc) =	sbr.ind lr, $3  }
0x3a: {  	_ = 	snop  }
0x3b: {  	_ = 	snop  }
0x3c: {  	p2 =	seq.s32 s10, $0x1;
	s10 =	sld [smem:$0x3FBA]  }
0x3d: {  	_ =	shalt  }
0x3e: {  	_ =	shalt  }
0x3f: {  	_ =	shalt  }
0x40: {  	_ =	shalt  }
0x41: {  	_ =	shalt  }
0x42: {  	_ =	shalt  }
0x43: {  	_ =	shalt  }
0x44: {  	_ =	shalt  }
0x45: {  	_ =	shalt  }
0x46: {  	_ =	shalt  }
0x47: {  	_ =	shalt  }
0x48: {  	_ =	shalt  }
0x49: {  	_ =	shalt  }
0x4a: {  	_ =	shalt  }
0x4b: {  	_ =	shalt  }
0x4c: {  	_ =	shalt  }
0x4d: {  	_ =	shalt  }
0x4e: {  	_ =	shalt  }
0x4f: {  	_ =	shalt  }
0x50: {  	_ =	shalt  }
0x51: {  	_ =	shalt  }
0x52: {  	_ =	shalt  }
0x53: {  	_ =	shalt  }
0x54: {  	_ =	shalt  }
0x55: {  	_ =	shalt  }
0x56: {  	_ =	shalt  }
0x57: {  	_ =	shalt  }
0x58: {  	_ =	shalt  }
0x59: {  	_ =	shalt  }
0x5a: {  	_ =	shalt  }
0x5b: {  	_ =	shalt  }
0x5c: {  	_ =	shalt  }
0x5d: {  	_ =	shalt  }
0x5e: {  	_ =	shalt  }
0x5f: {  	_ =	shalt  }
0x60: {  	_ =	shalt  }
0x61: {  	_ =	shalt  }
0x62: {  	_ =	shalt  }
0x63: {  	_ =	shalt  }
0x64: {  	_ =	shalt  }
0x65: {  	_ =	shalt  }
0x66: {  	_ =	shalt  }
0x67: {  	_ =	shalt  }
0x68: {  	_ =	shalt  }
0x69: {  	_ =	shalt  }
0x6a: {  	_ =	shalt  }
0x6b: {  	_ =	shalt  }
0x6c: {  	_ =	shalt  }
0x6d: {  	_ =	shalt  }
0x6e: {  	_ =	shalt  }
0x6f: {  	_ =	shalt  }
0x70: {  	_ =	shalt  }
0x71: {  	_ =	shalt  }
0x72: {  	_ =	shalt  }
0x73: {  	_ =	shalt  }
0x74: {  	_ =	shalt  }
0x75: {  	_ =	shalt  }
0x76: {  	_ =	shalt  }
0x77: {  	_ =	shalt  }
0x78: {  	_ =	shalt  }
0x79: {  	_ =	shalt  }
0x7a: {  	_ =	shalt  }
0x7b: {  	_ =	shalt  }
0x7c: {  	_ =	shalt  }
0x7d: {  	_ =	shalt  }
0x7e: {  	_ =	shalt  }
0x7f: {  	_ =	shalt  }
0x80: {  	_ =	shalt  }
0x81: {  	_ =	shalt  }
0x82: {  	_ =	shalt  }
0x83: {  	_ =	shalt  }
0x84: {  	_ =	shalt  }
0x85: {  	_ =	shalt  }
0x86: {  	_ =	shalt  }
0x87: {  	_ =	shalt  }
.Lfunc_end0:
.L_simem_size_0:
called_computation_lowered:
.L_overlay_start_0:
0x88: {  	s2 =	sld [smem:$0x3FD9]  }
0x89: {  	s3 =	sld [smem:$0x3FFE];
	_ =	sdelay $0x1  }
0x8a: {  	s1 =	srdreg.scid  }
0x8b: {  	s0 =	sand.u32 $0x1, s1  }
0x8c: {  	s15 =	sshll.u32 s0, $0xA;
	s2 =	sadd.s32 s3, s2  }
0x8d: {  	s2 =	sadd.s32 s2, s15  }
0x8e: {  	[smem:$0x3FC6] =	sst s2  }
0x8f: {  	_ = 	snop  }
0x90: {  	s2 =	sld [smem:$0x3FD0];
	_ =	sdelay $0x2  }
0x91: {  	s4 =	simm.s32 $0xA;
	s5 =	simm.s32 $0x10;
	s16 =	sld [smem:$0x3FC8]  }
0x92: {  	[smem:s5], [sflag:s4] =	dma.local [hbm:s2], $0x1  }
0x93: {  	_ =	swait.eq [sflag:s4], $0x1  }
0x94: {  	[sflag:s4] =	ssyncset.done $0x0  }
0x95: {  	s17 =	sld [smem:$0x10];
	[sflag:s4] =	ssyncadd.s32 $0xFFFFFFFF  }
0x96: {  	s18 =	sld [smem:$0x11];
	(tm) =	ssettm $0x1  }
0x97: {  	s19 =	sld [smem:$0x3FFB];
	_ =	sdelay $0x3  }
0x98: {  	_ =	strace s19  }
0x99: {  	s5 =	sld [smem:$0x3FFC];
	_ =	sdelay $0x3  }
0x9a: {  	_ =	strace s5  }
0x9b: {  	s5 =	sld [smem:$0x3FFD];
	_ =	sdelay $0x3  }
0x9c: {  	_ =	strace s5  }
0x9d: {  	_ =	strace $0x8FFFFFFF  }
0x9e: {  	s20 =	sld [smem:$0x3FDB];
	_ =	sdelay $0x1  }
0x9f: {  	s6 =	simm.s32 $_scs_section_size  }
0xa0: {  	s7 =	simm.s32 $_size__tile_overlayer_lowered;
	s8 =	simm.s32 $_tile_overlayer_lowered  }
0xa1: {  	s23 =	simm.s32 $0x1BFF;
	s22 =	sshll.u32 s8, $0x1;
	s5 =	sadd.s32 s6, s20  }
0xa2: {  	s9 =	simm.s32 $0x0;
	s21 =	sshll.u32 s7, $0x1;
	s7 =	sadd.s32 s22, s5  }
0xa3: {  	[timem:s9], [sflag:s23] =	dma.local [hbm:s7], s21  }
0xa4: {  	_ =	swait.ge [sflag:s23], s21  }
0xa5: {  	s6 =	ssub.s32 $0x0, s21;
	[sflag:s23] =	ssyncset.done $0x0  }
0xa6: {  	[sflag:s23] =	ssyncadd.s32 s6;
	_ =	sdelay $0x1  }
0xa7: {  	s24 =	simm.s32 $0x1B8B  }
0xa8: {  	_ =	swait.ge [sflag:s24], $0x1  }
0xa9: {  	[sflag:s24] =	ssyncset.done $0x0  }
0xaa: {  	s25 =	simm.s32 $0x1B8E;
	[sflag:s24] =	ssyncadd.s32 $0xFFFFFFFF  }
0xab: {  	s26 =	simm.s32 $execute0_lowered;
	[smem:$0x3FD2] =	sst s25  }
0xac: {  	s6 =	sshll.u32 s26, $0x1;
	_ =	strace $0x80000046;
	[dreg:$0x1] =	wrdreg $0xFFFFFFFF  }
0xad: {  	s28 =	simm.s32 $_size_execute0_lowered;
	s5 =	sadd.s32 s5, s6;
	[dreg:$0x0] =	wrdreg $0x0  }
0xae: {  	s6 =	sshll.u32 s28, $0x1;
	[dreg:$0x2] =	wrdreg s5  }
0xaf: {  	[dreg:$0x3] =	wrdreg s6  }
0xb0: {  	[dreg:$0x4] =	wrdreg $0xC0  }
0xb1: {  	_ =	task [dreg:s9], $0x5FFFF  }
0xb2: {  	[dreg:$0x1] =	wrdreg $0xFFFFFFFF  }
0xb3: {  	[dreg:$0x0] =	wrdreg $0x60  }
0xb4: {  	[dreg:$0x2] =	wrdreg s16  }
0xb5: {  	[dreg:$0x3] =	wrdreg s18  }
0xb6: {  	[dreg:$0x4] =	wrdreg s17  }
0xb7: {  	[dreg:$0x5] =	wrdreg $0x9  }
0xb8: {  	_ =	task.clear_ibuf [dreg:s9], $0x6FFFF;
	_ =	strace $0x90000046  }
0xb9: {  	s29 =	simm.s32 $0x9;
	_ =	strace $0x8000004F  }
0xba: {  	_ =	swait.ge [sflag:s29], $0x1  }
0xbb: {  	[sflag:s29] =	ssyncadd.s32 $0xFFFFFFFF  }
0xbc: {  	_ =	strace $0x9000004F  }
0xbd: {  	_ =	sfence  }
0xbe: {  	s30 =	sld [smem:$0x0];
	_ =	sdelay $0x2  }
0xbf: {  	s31 =	sshll.u32 s1, $0xD;
	s1 =	sshrl.u32 s1, $0x2  }
0xc0: {  	s3 =	sand.u32 $0x4000, s31;
	s1 =	sadd.s32 s1, s30  }
0xc1: {  	s0 =	sor.u32 s3, s0;
	s1 =	sshll.u32 s1, $0x11  }
0xc2: {  	s0 =	sor.u32 s1, s0  }
0xc3: {  	s0 =	sadd.s32 $0x8F2B, s0  }
0xc4: {  	[sflag:s0] =	ssyncadd.remote.s32 $0x1  }
0xc5: {  	_ =	sfence.sel $0xFFFF  }
0xc6: {  	[dreg:$0x0] =	wrdreg $0xFFFFFFFF;
	(pc) =	sbr.abs _section_cstart, $3  }
0xc7: {  	[dreg:$0x1] =	wrdreg $0xFFFFFFFF  }
0xc8: {  	_ =	task.clear_ibuf [dreg:s9], $0x2FFFF;
	_ =	strace $0x9FFFFFFF  }
0xc9: {  	(tm) =	ssettm $0x7FFFFFFF  }
tec
execute0_lowered:
.L_overlay_start_1:
0x0: {  	(tag) =	ssettag $0x1  }
0x1: {  	s1 =	rddreg [dreg:$0x0]  }
0x2: {  	s2 =	rddreg [dreg:$0x1]  }
0x3: {  	s0 =	rddreg [dreg:$0x2];
	s3 =	srdreg.scid;
	s4 =	simm.s32 $0x0  }
0x4: {  	s8 =	simm.s32 $0x5;
	s9 =	simm.s32 $0x4;
	[dreg:$0x4] =	wrdreg s0  }
0x5: {  	s10 =	simm.s32 $0x0;
	s0 =	rddreg [dreg:$0x3];
	s5 =	sand.u32 $0x1, s3  }
0x6: {  	s3 =	stileid.u32;
	s6 =	ssub.s32 $0x2, s5;
	s5 =	sshll.u32 s5, $0x4  }
0x7: {  	v2 =	vlaneseq.u32;
	[smem:$0x7FF] =	sst s4;
	s7 =	sshrl.u32 s6, $0x1;
	s5 =	sor.u32 s3, s5  }
0x8: {  	vm0 =	vmmov $0xffff;
	v1 =	vshrl.u32 v2, $0x3;
	_ =	strace $0x80000047;
	s7 =	ssub.s32 s6, s7;
	s31 =	sshll.u32 s5, $0x6  }
0x9: {  	v0 =	vand.u32 $0x7, v2;
	v2 =	vor.u32 $0x8, v2;
	v1 =	vmul.u32 $0x8, v1;
	s5 =	sshll.u32 s5, $0x2;
	s6 =	sadd.s32 s2, s31;
	s7 =	smax.u32 s7, $0x1  }
.LBB2_1:
0xa: {  	_ =	strace $0x80000048;
	s11 =	simm.s32 $0x4  }
0xb: {  	s12 =	simm.s32 $0x0;
	s13 =	simm.s32 $0x0;
	s14 =	simm.s32 $0x0  }
0xc: {  	[tilespmem:s4], [sflag:$0x1] =	stream.linear.gather [hbm4b:s6+s4], $0x80, $0x200038;
	[tilespmem:$0x10100] =	vst v63  }
0xd: {  	s15 =	simm.s32 $0x0;
	s16 =	simm.s32 $0x1;
	_ =	strace $0x90000048  }
.LBB2_2:
0xe: {  	s17 =	smov.u32 s12;
	s12 =	sadd.s32 $0x1, s12  }
0xf: {  	p0 =	seq.s32 s12, $0x4  }
0x10: {  	s12 =	simm.s32 @p0 $0x0  }
0x11: {  	p6 =	sne.s32 s11, $0x1;
	p1 =	sne.s32 s17, s12  }
0x12: {  	p0 =	por !p6, !p1  }
0x13: {  	p0 =	por !p0, !p0  }
0x14: {  	s18 =	sadd.s32 @p0 s5, s12  }
0x15: {  	s19 =	sand.u32 @p0 $0x1, s16;
	s18 =	sshll.u32 @p0 s18, $0x4  }
0x16: {  	_ =	strace @p0 $0x80000049;
	s21 =	simm.s32 @p0 $0x0;
	s18 =	sand.u32 @p0 $0x1FFFFFF0, s18  }
0x17: {  	s20 =	sshll.u32 @p0 s19, $0x7;
	s19 =	sadd.s32 @p0 $0x1, s19;
	s18 =	sadd.s32 @p0 s2, s18  }
0x18: {  	[tilespmem:s20], [sflag:s19] =	stream.linear.gather @p0 [hbm4b:s18+s21], $0x80, $0x200038;
	[tilespmem:$0x10100] =	vst v63  }
0x19: {  	s24 =	sand.u32 $0x1, s15;
	_ =	strace @p0 $0x90000049  }
0x1a: {  	s18 =	sadd.s32 $0x1, s24;
	_ =	strace $0x8000004A  }
0x1b: {  	_ =	swait.ge [sflag:s18], $0x80  }
0x1c: {  	[sflag:s18] =	ssyncset.done $0x0  }
0x1d: {  	[sflag:s18] =	ssyncadd.s32 $0xFFFFFF80  }
0x1e: {  	s25 =	sshll.u32 s15, $0x7;
	_ =	strace $0x9000004A  }
0x1f: {  	s21 =	sand.u32 $0x80, s25;
	_ =	strace $0x8000004B  }
0x20: {  	v3 =	vld [tilespmem:s21+$0x0];
	_ =	sdelay $0x4  }
0x21: {  	v4 =	vshll.u32 v3, $0x1  }
0x22: {  	v3 =	vand.u32 $0x7, v3;
	v4 =	vand.u32 $0xFFFFFFF0, v4  }
0x23: {  	v3 =	vor.u32 v3, v4  }
0x24: {  	v4 =	vperm.xlane v3, v0;
	_ =	sdelay $0x1  }
0x25: {  	v3 =	vperm.xlane v3, v2;
	v4 =	vadd.s32 v1, v4;
	_ =	sdelay $0x1  }
0x26: {  	s18 =	sand.u32 $0x1, s14;
	v3 =	vadd.s32 v1, v3  }
0x27: {  	s20 =	sshll.u32 s18, $0xF  }
0x28: {  	s19 =	sor.u32 $0x100, s20  }
0x29: {  	[tilespmem:s19], [sflag:$0x5] =	stream.indirect_vreg.gather [hbm4b:s1+s4], $0x80, v4, vm0, $0x2000b8;
	[tilespmem:$0x10100] =	vst v63  }
0x2a: {  	s22 =	sor.u32 $0x900, s20  }
0x2b: {  	[tilespmem:s22], [sflag:$0x5] =	stream.indirect_vreg.gather [hbm4b:s1+s4], $0x80, v3, vm0, $0x2000b8;
	[tilespmem:$0x10100] =	vst v63  }
0x2c: {  	v3 =	vld [tilespmem:s21+$0x10];
	_ =	sdelay $0x4  }
0x2d: {  	v57 =	vshll.u32 v3, $0x1  }
0x2e: {  	v3 =	vand.u32 $0x7, v3;
	v4 =	vand.u32 $0xFFFFFFF0, v57  }
0x2f: {  	v3 =	vor.u32 v3, v4  }
0x30: {  	v4 =	vperm.xlane v3, v0;
	_ =	sdelay $0x1  }
0x31: {  	v3 =	vperm.xlane v3, v2;
	v4 =	vadd.s32 v1, v4;
	_ =	sdelay $0x1  }
0x32: {  	v3 =	vadd.s32 v1, v3;
	_ =	sdelay $0x1  }
0x33: {  	s26 =	sor.u32 $0x1100, s20  }
0x34: {  	[tilespmem:s26], [sflag:$0x5] =	stream.indirect_vreg.gather [hbm4b:s1+s4], $0x80, v4, vm0, $0x2000b8;
	[tilespmem:$0x10100] =	vst v63  }
0x35: {  	s28 =	sor.u32 $0x1900, s20  }
0x36: {  	[tilespmem:s28], [sflag:$0x5] =	stream.indirect_vreg.gather [hbm4b:s1+s4], $0x80, v3, vm0, $0x2000b8;
	[tilespmem:$0x10100] =	vst v63  }
0x37: {  	v3 =	vld [tilespmem:s21+$0x20];
	_ =	sdelay $0x4  }
0x38: {  	v58 =	vshll.u32 v3, $0x1  }
0x39: {  	v3 =	vand.u32 $0x7, v3;
	v4 =	vand.u32 $0xFFFFFFF0, v58  }
0x3a: {  	v3 =	vor.u32 v3, v4  }
0x3b: {  	v4 =	vperm.xlane v3, v0;
	_ =	sdelay $0x1  }
0x3c: {  	v3 =	vperm.xlane v3, v2;
	v4 =	vadd.s32 v1, v4;
	_ =	sdelay $0x1  }
0x3d: {  	v3 =	vadd.s32 v1, v3;
	_ =	sdelay $0x1  }
0x3e: {  	s29 =	sor.u32 $0x2100, s20  }
0x3f: {  	[tilespmem:s29], [sflag:$0x5] =	stream.indirect_vreg.gather [hbm4b:s1+s4], $0x80, v4, vm0, $0x2000b8;
	[tilespmem:$0x10100] =	vst v63  }
0x40: {  	s30 =	sor.u32 $0x2900, s20  }
0x41: {  	[tilespmem:s30], [sflag:$0x5] =	stream.indirect_vreg.gather [hbm4b:s1+s4], $0x80, v3, vm0, $0x2000b8;
	[tilespmem:$0x10100] =	vst v63  }
0x42: {  	v3 =	vld [tilespmem:s21+$0x30];
	_ =	sdelay $0x4  }
0x43: {  	v59 =	vshll.u32 v3, $0x1  }
0x44: {  	v3 =	vand.u32 $0x7, v3;
	v4 =	vand.u32 $0xFFFFFFF0, v59  }
0x45: {  	v3 =	vor.u32 v3, v4  }
0x46: {  	v4 =	vperm.xlane v3, v0;
	_ =	sdelay $0x1  }
0x47: {  	v3 =	vperm.xlane v3, v2;
	v4 =	vadd.s32 v1, v4;
	_ =	sdelay $0x1  }
0x48: {  	v3 =	vadd.s32 v1, v3;
	_ =	sdelay $0x1  }
0x49: {  	s31 =	sor.u32 $0x3100, s20  }
0x4a: {  	[tilespmem:s31], [sflag:$0x5] =	stream.indirect_vreg.gather [hbm4b:s1+s4], $0x80, v4, vm0, $0x2000b8;
	[tilespmem:$0x10100] =	vst v63  }
0x4b: {  	s23 =	sor.u32 $0x3900, s20  }
0x4c: {  	[tilespmem:s23], [sflag:$0x5] =	stream.indirect_vreg.gather [hbm4b:s1+s4], $0x80, v3, vm0, $0x2000b8;
	[tilespmem:$0x10100] =	vst v63  }
0x4d: {  	v3 =	vld [tilespmem:s21+$0x40];
	_ =	sdelay $0x4  }
0x4e: {  	v60 =	vshll.u32 v3, $0x1  }
0x4f: {  	v3 =	vand.u32 $0x7, v3;
	v4 =	vand.u32 $0xFFFFFFF0, v60  }
0x50: {  	v3 =	vor.u32 v3, v4  }
0x51: {  	v4 =	vperm.xlane v3, v0;
	_ =	sdelay $0x1  }
0x52: {  	v3 =	vperm.xlane v3, v2;
	v4 =	vadd.s32 v1, v4;
	_ =	sdelay $0x1  }
0x53: {  	v3 =	vadd.s32 v1, v3;
	_ =	sdelay $0x1  }
0x54: {  	s24 =	sor.u32 $0x4100, s20  }
0x55: {  	[tilespmem:s24], [sflag:$0x5] =	stream.indirect_vreg.gather [hbm4b:s1+s4], $0x80, v4, vm0, $0x2000b8;
	[tilespmem:$0x10100] =	vst v63  }
0x56: {  	s25 =	sor.u32 $0x4900, s20  }
0x57: {  	[tilespmem:s25], [sflag:$0x5] =	stream.indirect_vreg.gather [hbm4b:s1+s4], $0x80, v3, vm0, $0x2000b8;
	[tilespmem:$0x10100] =	vst v63  }
0x58: {  	v3 =	vld [tilespmem:s21+$0x50];
	_ =	sdelay $0x4  }
0x59: {  	v61 =	vshll.u32 v3, $0x1  }
0x5a: {  	v3 =	vand.u32 $0x7, v3;
	v4 =	vand.u32 $0xFFFFFFF0, v61  }
0x5b: {  	v3 =	vor.u32 v3, v4  }
0x5c: {  	v4 =	vperm.xlane v3, v0;
	_ =	sdelay $0x1  }
0x5d: {  	v3 =	vperm.xlane v3, v2;
	v4 =	vadd.s32 v1, v4;
	_ =	sdelay $0x1  }
0x5e: {  	v3 =	vadd.s32 v1, v3;
	_ =	sdelay $0x1  }
0x5f: {  	s26 =	sor.u32 $0x5100, s20  }
0x60: {  	[tilespmem:s26], [sflag:$0x5] =	stream.indirect_vreg.gather [hbm4b:s1+s4], $0x80, v4, vm0, $0x2000b8;
	[tilespmem:$0x10100] =	vst v63  }
0x61: {  	s28 =	sor.u32 $0x5900, s20  }
0x62: {  	[tilespmem:s28], [sflag:$0x5] =	stream.indirect_vreg.gather [hbm4b:s1+s4], $0x80, v3, vm0, $0x2000b8;
	[tilespmem:$0x10100] =	vst v63  }
0x63: {  	v3 =	vld [tilespmem:s21+$0x60];
	_ =	sdelay $0x4  }
0x64: {  	v62 =	vshll.u32 v3, $0x1  }
0x65: {  	v3 =	vand.u32 $0x7, v3;
	v4 =	vand.u32 $0xFFFFFFF0, v62  }
0x66: {  	v3 =	vor.u32 v3, v4  }
0x67: {  	v4 =	vperm.xlane v3, v0;
	_ =	sdelay $0x1  }
0x68: {  	v3 =	vperm.xlane v3, v2;
	v4 =	vadd.s32 v1, v4;
	_ =	sdelay $0x1  }
0x69: {  	v3 =	vadd.s32 v1, v3;
	_ =	sdelay $0x1  }
0x6a: {  	s29 =	sor.u32 $0x6100, s20  }
0x6b: {  	[tilespmem:s29], [sflag:$0x5] =	stream.indirect_vreg.gather [hbm4b:s1+s4], $0x80, v4, vm0, $0x2000b8;
	[tilespmem:$0x10100] =	vst v63  }
0x6c: {  	s30 =	sor.u32 $0x6900, s20  }
0x6d: {  	[tilespmem:s30], [sflag:$0x5] =	stream.indirect_vreg.gather [hbm4b:s1+s4], $0x80, v3, vm0, $0x2000b8;
	[tilespmem:$0x10100] =	vst v63  }
0x6e: {  	v3 =	vld [tilespmem:s21+$0x70];
	_ =	sdelay $0x4  }
0x6f: {  	v63 =	vshll.u32 v3, $0x1  }
0x70: {  	v3 =	vand.u32 $0x7, v3;
	v4 =	vand.u32 $0xFFFFFFF0, v63  }
0x71: {  	v3 =	vor.u32 v3, v4  }
0x72: {  	v4 =	vperm.xlane v3, v0;
	_ =	sdelay $0x1  }
0x73: {  	v3 =	vperm.xlane v3, v2;
	v4 =	vadd.s32 v1, v4;
	_ =	sdelay $0x1  }
0x74: {  	v3 =	vadd.s32 v1, v3;
	_ =	sdelay $0x1  }
0x75: {  	s31 =	sor.u32 $0x7100, s20  }
0x76: {  	[tilespmem:s31], [sflag:$0x5] =	stream.indirect_vreg.gather [hbm4b:s1+s4], $0x80, v4, vm0, $0x2000b8;
	[tilespmem:$0x10100] =	vst v63  }
0x77: {  	s20 =	sor.u32 $0x7900, s20  }
0x78: {  	[tilespmem:s20], [sflag:$0x5] =	stream.indirect_vreg.gather [hbm4b:s1+s4], $0x80, v3, vm0, $0x2000b8;
	[tilespmem:$0x10100] =	vst v63  }
0x79: {  	_ =	swait.ge [sflag:s8], $0x8000  }
0x7a: {  	p2 =	seq.s32 s11, $0x1;
	[sflag:s8] =	ssyncset.done $0x0  }
0x7b: {  	s17 =	sadd.s32 s5, s17;
	p1 =	por p2, p1;
	[sflag:s8] =	ssyncadd.s32 $0xFFFF8000  }
0x7c: {  	s17 =	sshll.u32 @p1 s17, $0xC;
	_ =	strace $0x9000004B  }
0x7d: {  	s17 =	sand.u32 @p1 $0x1FFFF000, s17;
	s21 =	simm.s32 $0x1;
	_ =	strace @p1 $0x8000004C  }
0x7e: {  	s18 =	sadd.s32 @p1 $0x3, s18;
	s21 =	simm.s32 @!p0 $0x0;
	s20 =	rddreg [dreg:$0x4]  }
0x7f: {  	p0 =	seq.s32 s11, $0x4;
	s17 =	sadd.s32 @p1 s20, s17;
	s20 =	simm.s32 @p1 $0x0  }
0x80: {  	[hbm4b:s17+s20] =	stream.linear.scatter @p1 [tilespmem:s19], [sflag:s18], $0x8000, $0x200038;
	[tilespmem:$0x10100] =	vst v63  }
0x81: {  	s17 =	simm.s32 $0x1;
	s19 =	simm.s32 $0x1;
	_ =	strace @p1 $0x9000004C  }
0x82: {  	s17 =	simm.s32 @!p1 $0x0;
	p1 =	sne.s32 s11, $0x4;
	s11 =	sadd.s32 $0xFFFFFFFF, s11  }
0x83: {  	s18 =	sand.u32 @!p0 $0x1, s13;
	s19 =	simm.s32 @!p1 $0x0;
	p1 =	sne.s32 s11, $0x0  }
.Ltmp0:
0x84: {  	s18 =	sadd.s32 @!p0 $0x3, s18;
	_ =	strace @!p0 $0x8000004D;
	(pc) =	sbr.rel @p1 .LBB2_2-.Ltmp0, $4  }
0x85: {  	_ =	swait.ge @!p0 [sflag:s18], $0x8000  }
0x86: {  	[sflag:s18] =	ssyncset.done @!p0 $0x0  }
0x87: {  	s16 =	sadd.s32 s21, s16;
	s14 =	sadd.s32 s17, s14;
	[sflag:s18] =	ssyncadd.s32 @!p0 $0xFFFF8000  }
0x88: {  	s15 =	sadd.s32 s17, s15;
	s13 =	sadd.s32 s19, s13;
	_ =	strace @!p0 $0x9000004D  }
0x89: {  	s10 =	sadd.s32 $0x1, s10  }
0x8a: {  	p0 =	sne.s32 s10, s7  }
.Ltmp1:
0x8b: {  	_ =	strace $0x8000004E;
	(pc) =	sbr.rel @p0 .LBB2_1-.Ltmp1, $4  }
0x8c: {  	_ =	swait.ge [sflag:s9], $0x8000  }
0x8d: {  	[sflag:s9] =	ssyncset.done $0x0  }
0x8e: {  	[sflag:s9] =	ssyncadd.s32 $0xFFFF8000  }
0x8f: {  	_ =	strace $0x9000004E  }
0x90: {  	_ =	sfence.sel $0x180000  }
0x91: {  	[bflag:$0x0] =	sbarrier.arrive $0xFFFF  }
0x92: {  	p0 =	sne.s32 s3, $0x0;
	_ =	strace $0x90000047  }
0x93: {  	s0 =	sadd.s32 @!p0 $0x100000, s0;
	[bflag:$0x2] =	sbarrier.arrive $0xFFFF  }
0x94: {  	[sflag:s0] =	ssyncadd.tile.s32 @!p0 $0x1;
	_ =	shalt  }
.Lfunc_end2:
_tile_overlayer_lowered:
.L_overlay_start_2:
0x95: {  	(tag) =	ssettag $0x2  }
0x96: {  	s0 =	rddreg [dreg:$0x0];
	s2 =	stileid.u32  }
0x97: {  	s1 =	rddreg [dreg:$0x1];
	p0 =	sne.s32 s2, $0x0  }
0x98: {  	s3 =	rddreg [dreg:$0x2];
	[bflag:$0x3] =	sbarrier.arrive $0xFFFF;
	s2 =	simm.s32 @!p0 $0x1C01  }
0x99: {  	[timem:s3], [sflag:s2] =	dma.local @!p0 [hbm:s0], s1  }
0x9a: {  	s0 =	simm.s32 @!p0 $0x1  }
0x9b: {  	_ =	swait.ge @!p0 [sflag:s0], s1  }
0x9c: {  	s1 =	ssub.s32 @!p0 $0x0, s1;
	[sflag:s0] =	ssyncset.done @!p0 $0x0  }
0x9d: {  	[sflag:s0] =	ssyncadd.s32 @!p0 s1  }
0x9e: {  	[bflag:$0x3] =	sbarrier.arrive $0xFFFF  }
0x9f: {  	_ =	shalt  }

</sc_bundles>
